<compile_context>
chip_gen: v7x
topology: tpu7x:2x2x1
jax: 0.10.2.dev20260603
libtpu: 0.0.44.dev20260713+nightly
codegen_flags: <defaults>
</compile_context>

<pallas_src>
import functools

import jax
import jax.numpy as jnp
from jax import lax
from jax.experimental import pallas as pl
from jax.experimental.pallas import tpu as pltpu
from jax.experimental.pallas import tpu_sc as plsc

N = 10000
E = 320000
D = 128
H = 128
C = 64

NC = 2
NS = 16
NW = NC * NS
CHUNK = 128
NCHUNK = -(-E // (NW * CHUNK))
EPAD = NW * NCHUNK * CHUNK
NACC = 10112
RPT = NACC // NS


def _agg_body(x_hbm, src_hbm, dst_hbm, zero_hbm, out_hbm,
              src_v, dst_v, rows_v, acc, sem):
    c = lax.axis_index("c")
    s = lax.axis_index("s")
    wid = s * NC + c

    pltpu.sync_copy(zero_hbm, acc.at[pl.ds(s * RPT, RPT)])
    pltpu.sync_copy(src_hbm.at[wid], src_v)
    pltpu.sync_copy(dst_hbm.at[wid], dst_v)
    plsc.subcore_barrier()

    @pl.loop(0, NCHUNK)
    def _(j):
        pltpu.async_copy(x_hbm.at[src_v.at[j]], rows_v, sem).wait()
        pltpu.sync_copy(rows_v, acc.at[dst_v.at[j]], add=True)

    plsc.subcore_barrier()
    pltpu.sync_copy(acc.at[pl.ds(s * RPT, RPT)],
                    out_hbm.at[c, pl.ds(s * RPT, RPT)])


_agg = functools.partial(
    pl.kernel,
    out_type=jax.ShapeDtypeStruct((NC, NACC, D), jnp.float32),
    mesh=plsc.VectorSubcoreMesh(core_axis_name="c", subcore_axis_name="s"),
    scratch_types=[
        pltpu.VMEM((NCHUNK, CHUNK), jnp.int32),
        pltpu.VMEM((NCHUNK, CHUNK), jnp.int32),
        pltpu.VMEM((CHUNK, D), jnp.float32),
        pltpu.VMEM_SHARED((NACC, D), jnp.float32),
        pltpu.SemaphoreType.DMA,
    ],
)(_agg_body)


def _gin_layer_body(x_ref, p_ref, w1_ref, b1_ref, s_ref, be_ref,
                    w2_ref, b2_ref, o_ref):
    z = x_ref[...] + p_ref[0, :N, :] + p_ref[1, :N, :]
    h = jnp.dot(z, w1_ref[...], preferred_element_type=jnp.float32)
    h = h + b1_ref[...]
    mu = jnp.mean(h, axis=0, keepdims=True)
    var = jnp.mean(jnp.square(h - mu), axis=0, keepdims=True)
    h = (h - mu) * lax.rsqrt(var + 1e-5) * s_ref[...] + be_ref[...]
    h = jnp.maximum(h, 0.0)
    h2 = jnp.dot(h, w2_ref[...], preferred_element_type=jnp.float32)
    o_ref[...] = jnp.maximum(h2 + b2_ref[...], 0.0)


def _final_body(h_ref, q_ref, w1_ref, b1_ref, s_ref, be_ref, w2_ref, b2_ref,
                mw1_ref, mb1_ref, mw2_ref, mb2_ref, o_ref):
    z = h_ref[...] + q_ref[0, :N, :] + q_ref[1, :N, :]
    h = jnp.dot(z, w1_ref[...], preferred_element_type=jnp.float32)
    h = h + b1_ref[...]
    mu = jnp.mean(h, axis=0, keepdims=True)
    var = jnp.mean(jnp.square(h - mu), axis=0, keepdims=True)
    h = (h - mu) * lax.rsqrt(var + 1e-5) * s_ref[...] + be_ref[...]
    h = jnp.maximum(h, 0.0)
    h2 = jnp.dot(h, w2_ref[...], preferred_element_type=jnp.float32)
    h2 = jnp.maximum(h2 + b2_ref[...], 0.0)
    g = jnp.dot(h2, mw1_ref[...], preferred_element_type=jnp.float32)
    g = jnp.maximum(g + mb1_ref[...], 0.0)
    o = jnp.dot(g, mw2_ref[...], preferred_element_type=jnp.float32)
    o_ref[...] = o + mb2_ref[...]


def _gin_layer(x, p, w1, b1, s, be, w2, b2):
    return pl.pallas_call(
        _gin_layer_body,
        out_shape=jax.ShapeDtypeStruct((N, H), jnp.float32),
    )(x, p, w1, b1.reshape(1, H), s.reshape(1, H), be.reshape(1, H),
      w2, b2.reshape(1, H))


def _final(h, q, w1, b1, s, be, w2, b2, mw1, mb1, mw2, mb2):
    return pl.pallas_call(
        _final_body,
        out_shape=jax.ShapeDtypeStruct((N, C), jnp.float32),
    )(h, q, w1, b1.reshape(1, H), s.reshape(1, H), be.reshape(1, H),
      w2, b2.reshape(1, H), mw1, mb1.reshape(1, H), mw2, mb2.reshape(1, C))


@jax.jit
def kernel(x, edge_index, c1_W1, c1_b1, c1_s, c1_be, c1_W2, c1_b2,
           c2_W1, c2_b1, c2_s, c2_be, c2_W2, c2_b2,
           m_W1, m_b1, m_W2, m_b2):
    ei = edge_index.astype(jnp.int32)
    pad = EPAD - E
    src = jnp.concatenate([ei[0], jnp.zeros((pad,), jnp.int32)])
    dst = jnp.concatenate([ei[1], jnp.full((pad,), N, jnp.int32)])
    src3 = src.reshape(NW, NCHUNK, CHUNK)
    dst3 = dst.reshape(NW, NCHUNK, CHUNK)
    zero = jnp.zeros((RPT, D), jnp.float32)

    p = _agg(x, src3, dst3, zero)
    h = _gin_layer(x, p, c1_W1, c1_b1, c1_s, c1_be, c1_W2, c1_b2)
    q = _agg(h, src3, dst3, zero)
    return _final(h, q, c2_W1, c2_b1, c2_s, c2_be, c2_W2, c2_b2,
                  m_W1, m_b1, m_W2, m_b2)

# --- scband reference (transcript-rebuilt; emitter-appended) ---
"""Pipeline reference for scband-ginnet-32908039422341 (READ-ONLY COPY).

The authoritative reference and input builder live on the scoring server;
editing this copy changes nothing except your own understanding.
"""

import jax, jax.numpy as jnp
import numpy as np

N = 10000
E = 320000
D = 128
H = 128
C = 64

def _bn(x, scale, bias):
    mu = jnp.mean(x, axis=0, keepdims=True)
    var = jnp.var(x, axis=0, keepdims=True)
    return (x - mu) * jax.lax.rsqrt(var + 1e-5) * scale + bias

def _gin_mlp(x, W1, b1, s, be, W2, b2):
    # PyG MLP([in, hidden, hidden]): Linear -> BatchNorm -> ReLU -> Linear (plain last)
    h = x @ W1 + b1
    h = jax.nn.relu(_bn(h, s, be))
    return h @ W2 + b2

def setup_inputs(seed: int = 0):
    key = jax.random.key(seed)
    ks = jax.random.split(key, 16)
    def w(k, fi, fo):
        return (jax.random.normal(k, (fi, fo), dtype=jnp.float32) / np.sqrt(fi)).astype(jnp.float32)
    return {
        "x": jax.random.normal(ks[0], (N, D), dtype=jnp.float32),
        "edge_index": jax.random.randint(ks[1], (2, E), 0, N).astype(jnp.int64),
        "c1_W1": w(ks[2], D, H), "c1_b1": jnp.zeros((H,), jnp.float32),
        "c1_s": jnp.ones((H,), jnp.float32), "c1_be": jnp.zeros((H,), jnp.float32),
        "c1_W2": w(ks[3], H, H), "c1_b2": jnp.zeros((H,), jnp.float32),
        "c2_W1": w(ks[4], H, H), "c2_b1": jnp.zeros((H,), jnp.float32),
        "c2_s": jnp.ones((H,), jnp.float32), "c2_be": jnp.zeros((H,), jnp.float32),
        "c2_W2": w(ks[5], H, H), "c2_b2": jnp.zeros((H,), jnp.float32),
        "m_W1": w(ks[6], H, H), "m_b1": jnp.zeros((H,), jnp.float32),
        "m_W2": w(ks[7], H, C), "m_b2": jnp.zeros((C,), jnp.float32),
    }

def reference(x, edge_index, c1_W1, c1_b1, c1_s, c1_be, c1_W2, c1_b2,
              c2_W1, c2_b1, c2_s, c2_be, c2_W2, c2_b2,
              m_W1, m_b1, m_W2, m_b2):
    src, dst = edge_index[0], edge_index[1]
    # GINConv layer 1: out = mlp((1+eps)*x + sum_{j in N(i)} x_j), eps=0
    agg = jnp.zeros_like(x).at[dst].add(x[src])
    h = jax.nn.relu(_gin_mlp(x + agg, c1_W1, c1_b1, c1_s, c1_be, c1_W2, c1_b2))
    # GINConv layer 2
    agg2 = jnp.zeros_like(h).at[dst].add(h[src])
    h = jax.nn.relu(_gin_mlp(h + agg2, c2_W1, c2_b1, c2_s, c2_be, c2_W2, c2_b2))
    # final MLP([hidden, hidden, out], norm=None, dropout=0.5) -> eval mode: Linear -> ReLU -> Linear
    out = jax.nn.relu(h @ m_W1 + m_b1) @ m_W2 + m_b2
    return out

if __name__ == "__main__":
    import jax
    _d = setup_inputs()
    print(jax.jit(kernel)(*tuple(_d.values())))

</pallas_src>

<mosaic_0001>
#map = affine_map<(d0, d1) -> (0, 0)>
#map1 = affine_map<(d0, d1) -> (0, 0, 0)>
module attributes {stable_mosaic.version = 14 : i64} {
  func.func @_agg_body(%arg0: i32, %arg1: i32, %arg2: memref<10000x128xf32, #tpu.memory_space<hbm>>, %arg3: memref<32x79x128xi32, #tpu.memory_space<hbm>>, %arg4: memref<32x79x128xi32, #tpu.memory_space<hbm>>, %arg5: memref<632x128xf32, #tpu.memory_space<hbm>>, %arg6: memref<2x10112x128xf32, #tpu.memory_space<hbm>>, %arg7: memref<79x128xi32, #tpu.memory_space<vmem>>, %arg8: memref<79x128xi32, #tpu.memory_space<vmem>>, %arg9: memref<128x128xf32, #tpu.memory_space<vmem>>, %arg10: memref<10112x128xf32, #tpu.memory_space<vmem_shared>>, %arg11: memref<!tpu.dma_semaphore, #tpu.memory_space<semaphore_mem>>) attributes {dimension_semantics = [#tpu.dimension_semantics<core_parallel>, #tpu.dimension_semantics<subcore_parallel>], iteration_bounds = array<i64: 2, 16>, scalar_prefetch = 0 : i64, scratch_operands = 5 : i64, tpu.core_type = #tpu.core_type<sc_vector_subcore>, window_params = [{transform_indices = #map}, {transform_indices = #map1}, {transform_indices = #map1}, {transform_indices = #map}, {transform_indices = #map1}]} {
    %mul3A = arith.constant 2 : i32
    %mul3A_0 = arith.muli %arg1, %mul3A : i32
    %add3A = arith.addi %mul3A_0, %arg0 : i32
    %mul3A_1 = arith.constant 632 : i32
    %mul3A_2 = arith.muli %arg1, %mul3A_1 : i32
    "tpu.region"() ({
      %run_scoped3A = tpu.sem_alloc : memref<!tpu.dma_semaphore, #tpu.memory_space<semaphore_mem>>
      %dma_start3A = arith.constant 0 : i32
      %dma_start3A_12 = tpu.memref_slice %arg10[%mul3A_2, %dma_start3A] : memref<10112x128xf32, #tpu.memory_space<vmem_shared>> -> memref<632x128xf32, #tpu.memory_space<vmem_shared>>
      tpu.enqueue_dma source(%arg5 : memref<632x128xf32, #tpu.memory_space<hbm>>) target(%dma_start3A_12 : memref<632x128xf32, #tpu.memory_space<vmem_shared>>) target_semaphore(%run_scoped3A : memref<!tpu.dma_semaphore, #tpu.memory_space<semaphore_mem>>)
      %dma_wait3A = arith.constant 0 : i32
      %dma_wait3A_13 = tpu.memref_slice %arg10[%mul3A_2, %dma_wait3A] : memref<10112x128xf32, #tpu.memory_space<vmem_shared>> -> memref<632x128xf32, #tpu.memory_space<vmem_shared>>
      tpu.wait_dma2 semaphore(%run_scoped3A : memref<!tpu.dma_semaphore, #tpu.memory_space<semaphore_mem>>) src(%arg5 : memref<632x128xf32, #tpu.memory_space<hbm>>) dst(%dma_wait3A_13 : memref<632x128xf32, #tpu.memory_space<vmem_shared>>)
      tpu.yield
    }) : () -> ()
    "tpu.region"() ({
      %run_scoped3A = tpu.sem_alloc : memref<!tpu.dma_semaphore, #tpu.memory_space<semaphore_mem>>
      %dma_start3A = arith.constant 0 : i32
      %dma_start3A_12 = arith.constant 0 : i32
      %dma_start3A_13 = tpu.memref_slice %arg3[%add3A, %dma_start3A, %dma_start3A_12] : memref<32x79x128xi32, #tpu.memory_space<hbm>> -> memref<1x79x128xi32, #tpu.memory_space<hbm>>
      %dma_start3A_14 = tpu.memref_squeeze %dma_start3A_13 : memref<1x79x128xi32, #tpu.memory_space<hbm>> -> memref<79x128xi32, #tpu.memory_space<hbm>>
      %dma_start3A_15 = arith.constant 0 : i32
      %dma_start3A_16 = arith.constant 0 : i32
      %dma_start3A_17 = tpu.memref_slice %arg3[%add3A, %dma_start3A_15, %dma_start3A_16] : memref<32x79x128xi32, #tpu.memory_space<hbm>> -> memref<1x79x128xi32, #tpu.memory_space<hbm>>
      %dma_start3A_18 = tpu.memref_squeeze %dma_start3A_17 : memref<1x79x128xi32, #tpu.memory_space<hbm>> -> memref<79x128xi32, #tpu.memory_space<hbm>>
      tpu.enqueue_dma source(%dma_start3A_18 : memref<79x128xi32, #tpu.memory_space<hbm>>) target(%arg7 : memref<79x128xi32, #tpu.memory_space<vmem>>) target_semaphore(%run_scoped3A : memref<!tpu.dma_semaphore, #tpu.memory_space<semaphore_mem>>)
      %dma_wait3A = arith.constant 0 : i32
      %dma_wait3A_19 = arith.constant 0 : i32
      %dma_wait3A_20 = tpu.memref_slice %arg3[%add3A, %dma_wait3A, %dma_wait3A_19] : memref<32x79x128xi32, #tpu.memory_space<hbm>> -> memref<1x79x128xi32, #tpu.memory_space<hbm>>
      %dma_wait3A_21 = tpu.memref_squeeze %dma_wait3A_20 : memref<1x79x128xi32, #tpu.memory_space<hbm>> -> memref<79x128xi32, #tpu.memory_space<hbm>>
      %dma_wait3A_22 = arith.constant 0 : i32
      %dma_wait3A_23 = arith.constant 0 : i32
      %dma_wait3A_24 = tpu.memref_slice %arg3[%add3A, %dma_wait3A_22, %dma_wait3A_23] : memref<32x79x128xi32, #tpu.memory_space<hbm>> -> memref<1x79x128xi32, #tpu.memory_space<hbm>>
      %dma_wait3A_25 = tpu.memref_squeeze %dma_wait3A_24 : memref<1x79x128xi32, #tpu.memory_space<hbm>> -> memref<79x128xi32, #tpu.memory_space<hbm>>
      tpu.wait_dma2 semaphore(%run_scoped3A : memref<!tpu.dma_semaphore, #tpu.memory_space<semaphore_mem>>) src(%dma_wait3A_25 : memref<79x128xi32, #tpu.memory_space<hbm>>) dst(%arg7 : memref<79x128xi32, #tpu.memory_space<vmem>>)
      tpu.yield
    }) : () -> ()
    "tpu.region"() ({
      %run_scoped3A = tpu.sem_alloc : memref<!tpu.dma_semaphore, #tpu.memory_space<semaphore_mem>>
      %dma_start3A = arith.constant 0 : i32
      %dma_start3A_12 = arith.constant 0 : i32
      %dma_start3A_13 = tpu.memref_slice %arg4[%add3A, %dma_start3A, %dma_start3A_12] : memref<32x79x128xi32, #tpu.memory_space<hbm>> -> memref<1x79x128xi32, #tpu.memory_space<hbm>>
      %dma_start3A_14 = tpu.memref_squeeze %dma_start3A_13 : memref<1x79x128xi32, #tpu.memory_space<hbm>> -> memref<79x128xi32, #tpu.memory_space<hbm>>
      %dma_start3A_15 = arith.constant 0 : i32
      %dma_start3A_16 = arith.constant 0 : i32
      %dma_start3A_17 = tpu.memref_slice %arg4[%add3A, %dma_start3A_15, %dma_start3A_16] : memref<32x79x128xi32, #tpu.memory_space<hbm>> -> memref<1x79x128xi32, #tpu.memory_space<hbm>>
      %dma_start3A_18 = tpu.memref_squeeze %dma_start3A_17 : memref<1x79x128xi32, #tpu.memory_space<hbm>> -> memref<79x128xi32, #tpu.memory_space<hbm>>
      tpu.enqueue_dma source(%dma_start3A_18 : memref<79x128xi32, #tpu.memory_space<hbm>>) target(%arg8 : memref<79x128xi32, #tpu.memory_space<vmem>>) target_semaphore(%run_scoped3A : memref<!tpu.dma_semaphore, #tpu.memory_space<semaphore_mem>>)
      %dma_wait3A = arith.constant 0 : i32
      %dma_wait3A_19 = arith.constant 0 : i32
      %dma_wait3A_20 = tpu.memref_slice %arg4[%add3A, %dma_wait3A, %dma_wait3A_19] : memref<32x79x128xi32, #tpu.memory_space<hbm>> -> memref<1x79x128xi32, #tpu.memory_space<hbm>>
      %dma_wait3A_21 = tpu.memref_squeeze %dma_wait3A_20 : memref<1x79x128xi32, #tpu.memory_space<hbm>> -> memref<79x128xi32, #tpu.memory_space<hbm>>
      %dma_wait3A_22 = arith.constant 0 : i32
      %dma_wait3A_23 = arith.constant 0 : i32
      %dma_wait3A_24 = tpu.memref_slice %arg4[%add3A, %dma_wait3A_22, %dma_wait3A_23] : memref<32x79x128xi32, #tpu.memory_space<hbm>> -> memref<1x79x128xi32, #tpu.memory_space<hbm>>
      %dma_wait3A_25 = tpu.memref_squeeze %dma_wait3A_24 : memref<1x79x128xi32, #tpu.memory_space<hbm>> -> memref<79x128xi32, #tpu.memory_space<hbm>>
      tpu.wait_dma2 semaphore(%run_scoped3A : memref<!tpu.dma_semaphore, #tpu.memory_space<semaphore_mem>>) src(%dma_wait3A_25 : memref<79x128xi32, #tpu.memory_space<hbm>>) dst(%arg8 : memref<79x128xi32, #tpu.memory_space<vmem>>)
      tpu.yield
    }) : () -> ()
    %barrier3A = arith.constant 0 : index
    tpu.barrier barrier_id(%barrier3A)
    %scan3A = arith.constant 0 : i32
    %scan3A_3 = arith.constant 79 : i32
    %scan3A_4 = arith.addi %scan3A, %scan3A_3 : i32
    %scan3A_5 = arith.constant 1 : i32
    scf.for %scan3A_12 = %scan3A to %scan3A_4 step %scan3A_5  : i32 {
      %mul3A_13 = arith.constant 1 : i32
      %mul3A_14 = arith.muli %scan3A_12, %mul3A_13 : i32
      %add3A_15 = arith.constant 0 : i32
      %add3A_16 = arith.addi %add3A_15, %mul3A_14 : i32
      %dma_start3A = arith.constant 0 : i32
      %dma_start3A_17 = tpu.memref_slice %arg7[%add3A_16, %dma_start3A] : memref<79x128xi32, #tpu.memory_space<vmem>> -> memref<1x128xi32, #tpu.memory_space<vmem>>
      %dma_start3A_18 = tpu.memref_squeeze %dma_start3A_17 : memref<1x128xi32, #tpu.memory_space<vmem>> -> memref<128xi32, #tpu.memory_space<vmem>>
      %dma_start3A_19 = arith.constant 0 : i32
      %dma_start3A_20 = arith.constant 0 : i32
      %dma_start3A_21 = tpu.memref_slice %arg2[%dma_start3A_19, %dma_start3A_20] : memref<10000x128xf32, #tpu.memory_space<hbm>> -> memref<10000x128xf32, #tpu.memory_space<hbm>>
      tpu.enqueue_indirect_dma source(%dma_start3A_21 : memref<10000x128xf32, #tpu.memory_space<hbm>>) target(%arg9 : memref<128x128xf32, #tpu.memory_space<vmem>>) offsets(%dma_start3A_18 : memref<128xi32, #tpu.memory_space<vmem>>) semaphore(%arg11 : memref<!tpu.dma_semaphore, #tpu.memory_space<semaphore_mem>>)
      %dma_wait3A = arith.constant 0 : i32
      %dma_wait3A_22 = tpu.memref_slice %arg7[%add3A_16, %dma_wait3A] : memref<79x128xi32, #tpu.memory_space<vmem>> -> memref<1x128xi32, #tpu.memory_space<vmem>>
      %dma_wait3A_23 = tpu.memref_squeeze %dma_wait3A_22 : memref<1x128xi32, #tpu.memory_space<vmem>> -> memref<128xi32, #tpu.memory_space<vmem>>
      %dma_wait3A_24 = arith.constant 0 : i32
      %dma_wait3A_25 = arith.constant 0 : i32
      %dma_wait3A_26 = tpu.memref_slice %arg2[%dma_wait3A_24, %dma_wait3A_25] : memref<10000x128xf32, #tpu.memory_space<hbm>> -> memref<10000x128xf32, #tpu.memory_space<hbm>>
      tpu.wait_indirect_dma semaphore(%arg11 : memref<!tpu.dma_semaphore, #tpu.memory_space<semaphore_mem>>) src(%dma_wait3A_26 : memref<10000x128xf32, #tpu.memory_space<hbm>>) dst(%arg9 : memref<128x128xf32, #tpu.memory_space<vmem>>)
      "tpu.region"() ({
        %run_scoped3A = tpu.sem_alloc : memref<!tpu.dma_semaphore, #tpu.memory_space<semaphore_mem>>
        %dma_start3A_27 = arith.constant 0 : i32
        %dma_start3A_28 = tpu.memref_slice %arg8[%add3A_16, %dma_start3A_27] : memref<79x128xi32, #tpu.memory_space<vmem>> -> memref<1x128xi32, #tpu.memory_space<vmem>>
        %dma_start3A_29 = tpu.memref_squeeze %dma_start3A_28 : memref<1x128xi32, #tpu.memory_space<vmem>> -> memref<128xi32, #tpu.memory_space<vmem>>
        %dma_start3A_30 = arith.constant 0 : i32
        %dma_start3A_31 = arith.constant 0 : i32
        %dma_start3A_32 = tpu.memref_slice %arg10[%dma_start3A_30, %dma_start3A_31] : memref<10112x128xf32, #tpu.memory_space<vmem_shared>> -> memref<10112x128xf32, #tpu.memory_space<vmem_shared>>
        tpu.enqueue_indirect_dma source(%arg9 : memref<128x128xf32, #tpu.memory_space<vmem>>) target(%dma_start3A_32 : memref<10112x128xf32, #tpu.memory_space<vmem_shared>>) offsets(%dma_start3A_29 : memref<128xi32, #tpu.memory_space<vmem>>) semaphore(%run_scoped3A : memref<!tpu.dma_semaphore, #tpu.memory_space<semaphore_mem>>) {add = true}
        %dma_wait3A_33 = arith.constant 0 : i32
        %dma_wait3A_34 = tpu.memref_slice %arg8[%add3A_16, %dma_wait3A_33] : memref<79x128xi32, #tpu.memory_space<vmem>> -> memref<1x128xi32, #tpu.memory_space<vmem>>
        %dma_wait3A_35 = tpu.memref_squeeze %dma_wait3A_34 : memref<1x128xi32, #tpu.memory_space<vmem>> -> memref<128xi32, #tpu.memory_space<vmem>>
        %dma_wait3A_36 = arith.constant 0 : i32
        %dma_wait3A_37 = arith.constant 0 : i32
        %dma_wait3A_38 = tpu.memref_slice %arg10[%dma_wait3A_36, %dma_wait3A_37] : memref<10112x128xf32, #tpu.memory_space<vmem_shared>> -> memref<10112x128xf32, #tpu.memory_space<vmem_shared>>
        tpu.wait_indirect_dma semaphore(%run_scoped3A : memref<!tpu.dma_semaphore, #tpu.memory_space<semaphore_mem>>) src(%arg9 : memref<128x128xf32, #tpu.memory_space<vmem>>) dst(%dma_wait3A_38 : memref<10112x128xf32, #tpu.memory_space<vmem_shared>>)
        tpu.yield
      }) : () -> ()
    }
    %scan3A_6 = arith.constant 79 : i32
    %barrier3A_7 = arith.constant 0 : index
    tpu.barrier barrier_id(%barrier3A_7)
    %mul3A_8 = arith.constant 632 : i32
    %mul3A_9 = arith.muli %arg1, %mul3A_8 : i32
    %mul3A_10 = arith.constant 632 : i32
    %mul3A_11 = arith.muli %arg1, %mul3A_10 : i32
    "tpu.region"() ({
      %run_scoped3A = tpu.sem_alloc : memref<!tpu.dma_semaphore, #tpu.memory_space<semaphore_mem>>
      %dma_start3A = arith.constant 0 : i32
      %dma_start3A_12 = tpu.memref_slice %arg6[%arg0, %mul3A_11, %dma_start3A] : memref<2x10112x128xf32, #tpu.memory_space<hbm>> -> memref<1x632x128xf32, #tpu.memory_space<hbm>>
      %dma_start3A_13 = tpu.memref_squeeze %dma_start3A_12 : memref<1x632x128xf32, #tpu.memory_space<hbm>> -> memref<632x128xf32, #tpu.memory_space<hbm>>
      %dma_start3A_14 = arith.constant 0 : i32
      %dma_start3A_15 = tpu.memref_slice %arg10[%mul3A_9, %dma_start3A_14] : memref<10112x128xf32, #tpu.memory_space<vmem_shared>> -> memref<632x128xf32, #tpu.memory_space<vmem_shared>>
      tpu.enqueue_dma source(%dma_start3A_15 : memref<632x128xf32, #tpu.memory_space<vmem_shared>>) target(%dma_start3A_13 : memref<632x128xf32, #tpu.memory_space<hbm>>) target_semaphore(%run_scoped3A : memref<!tpu.dma_semaphore, #tpu.memory_space<semaphore_mem>>)
      %dma_wait3A = arith.constant 0 : i32
      %dma_wait3A_16 = tpu.memref_slice %arg6[%arg0, %mul3A_11, %dma_wait3A] : memref<2x10112x128xf32, #tpu.memory_space<hbm>> -> memref<1x632x128xf32, #tpu.memory_space<hbm>>
      %dma_wait3A_17 = tpu.memref_squeeze %dma_wait3A_16 : memref<1x632x128xf32, #tpu.memory_space<hbm>> -> memref<632x128xf32, #tpu.memory_space<hbm>>
      %dma_wait3A_18 = arith.constant 0 : i32
      %dma_wait3A_19 = tpu.memref_slice %arg10[%mul3A_9, %dma_wait3A_18] : memref<10112x128xf32, #tpu.memory_space<vmem_shared>> -> memref<632x128xf32, #tpu.memory_space<vmem_shared>>
      tpu.wait_dma2 semaphore(%run_scoped3A : memref<!tpu.dma_semaphore, #tpu.memory_space<semaphore_mem>>) src(%dma_wait3A_19 : memref<632x128xf32, #tpu.memory_space<vmem_shared>>) dst(%dma_wait3A_17 : memref<632x128xf32, #tpu.memory_space<hbm>>)
      tpu.yield
    }) : () -> ()
    return
  }
}

#map = affine_map<(d0, d1) -> (0, 0)>
#map1 = affine_map<(d0, d1) -> (0, 0, 0)>
module attributes {stable_mosaic.version = 14 : i64} {
  func.func @_agg_body(%arg0: i32, %arg1: i32, %arg2: memref<10000x128xf32, #tpu.memory_space<hbm>>, %arg3: memref<32x79x128xi32, #tpu.memory_space<hbm>>, %arg4: memref<32x79x128xi32, #tpu.memory_space<hbm>>, %arg5: memref<632x128xf32, #tpu.memory_space<hbm>>, %arg6: memref<2x10112x128xf32, #tpu.memory_space<hbm>>, %arg7: memref<79x128xi32, #tpu.memory_space<vmem>>, %arg8: memref<79x128xi32, #tpu.memory_space<vmem>>, %arg9: memref<128x128xf32, #tpu.memory_space<vmem>>, %arg10: memref<10112x128xf32, #tpu.memory_space<vmem_shared>>, %arg11: memref<!tpu.dma_semaphore, #tpu.memory_space<semaphore_mem>>) attributes {dimension_semantics = [#tpu.dimension_semantics<core_parallel>, #tpu.dimension_semantics<subcore_parallel>], iteration_bounds = array<i64: 2, 16>, scalar_prefetch = 0 : i64, scratch_operands = 5 : i64, tpu.core_type = #tpu.core_type<sc_vector_subcore>, window_params = [{transform_indices = #map}, {transform_indices = #map1}, {transform_indices = #map1}, {transform_indices = #map}, {transform_indices = #map1}]} {
    %mul3A = arith.constant 2 : i32
    %mul3A_0 = arith.muli %arg1, %mul3A : i32
    %add3A = arith.addi %mul3A_0, %arg0 : i32
    %mul3A_1 = arith.constant 632 : i32
    %mul3A_2 = arith.muli %arg1, %mul3A_1 : i32
    "tpu.region"() ({
      %run_scoped3A = tpu.sem_alloc : memref<!tpu.dma_semaphore, #tpu.memory_space<semaphore_mem>>
      %dma_start3A = arith.constant 0 : i32
      %dma_start3A_12 = tpu.memref_slice %arg10[%mul3A_2, %dma_start3A] : memref<10112x128xf32, #tpu.memory_space<vmem_shared>> -> memref<632x128xf32, #tpu.memory_space<vmem_shared>>
      tpu.enqueue_dma source(%arg5 : memref<632x128xf32, #tpu.memory_space<hbm>>) target(%dma_start3A_12 : memref<632x128xf32, #tpu.memory_space<vmem_shared>>) target_semaphore(%run_scoped3A : memref<!tpu.dma_semaphore, #tpu.memory_space<semaphore_mem>>)
      %dma_wait3A = arith.constant 0 : i32
      %dma_wait3A_13 = tpu.memref_slice %arg10[%mul3A_2, %dma_wait3A] : memref<10112x128xf32, #tpu.memory_space<vmem_shared>> -> memref<632x128xf32, #tpu.memory_space<vmem_shared>>
      tpu.wait_dma2 semaphore(%run_scoped3A : memref<!tpu.dma_semaphore, #tpu.memory_space<semaphore_mem>>) src(%arg5 : memref<632x128xf32, #tpu.memory_space<hbm>>) dst(%dma_wait3A_13 : memref<632x128xf32, #tpu.memory_space<vmem_shared>>)
      tpu.yield
    }) : () -> ()
    "tpu.region"() ({
      %run_scoped3A = tpu.sem_alloc : memref<!tpu.dma_semaphore, #tpu.memory_space<semaphore_mem>>
      %dma_start3A = arith.constant 0 : i32
      %dma_start3A_12 = arith.constant 0 : i32
      %dma_start3A_13 = tpu.memref_slice %arg3[%add3A, %dma_start3A, %dma_start3A_12] : memref<32x79x128xi32, #tpu.memory_space<hbm>> -> memref<1x79x128xi32, #tpu.memory_space<hbm>>
      %dma_start3A_14 = tpu.memref_squeeze %dma_start3A_13 : memref<1x79x128xi32, #tpu.memory_space<hbm>> -> memref<79x128xi32, #tpu.memory_space<hbm>>
      %dma_start3A_15 = arith.constant 0 : i32
      %dma_start3A_16 = arith.constant 0 : i32
      %dma_start3A_17 = tpu.memref_slice %arg3[%add3A, %dma_start3A_15, %dma_start3A_16] : memref<32x79x128xi32, #tpu.memory_space<hbm>> -> memref<1x79x128xi32, #tpu.memory_space<hbm>>
      %dma_start3A_18 = tpu.memref_squeeze %dma_start3A_17 : memref<1x79x128xi32, #tpu.memory_space<hbm>> -> memref<79x128xi32, #tpu.memory_space<hbm>>
      tpu.enqueue_dma source(%dma_start3A_18 : memref<79x128xi32, #tpu.memory_space<hbm>>) target(%arg7 : memref<79x128xi32, #tpu.memory_space<vmem>>) target_semaphore(%run_scoped3A : memref<!tpu.dma_semaphore, #tpu.memory_space<semaphore_mem>>)
      %dma_wait3A = arith.constant 0 : i32
      %dma_wait3A_19 = arith.constant 0 : i32
      %dma_wait3A_20 = tpu.memref_slice %arg3[%add3A, %dma_wait3A, %dma_wait3A_19] : memref<32x79x128xi32, #tpu.memory_space<hbm>> -> memref<1x79x128xi32, #tpu.memory_space<hbm>>
      %dma_wait3A_21 = tpu.memref_squeeze %dma_wait3A_20 : memref<1x79x128xi32, #tpu.memory_space<hbm>> -> memref<79x128xi32, #tpu.memory_space<hbm>>
      %dma_wait3A_22 = arith.constant 0 : i32
      %dma_wait3A_23 = arith.constant 0 : i32
      %dma_wait3A_24 = tpu.memref_slice %arg3[%add3A, %dma_wait3A_22, %dma_wait3A_23] : memref<32x79x128xi32, #tpu.memory_space<hbm>> -> memref<1x79x128xi32, #tpu.memory_space<hbm>>
      %dma_wait3A_25 = tpu.memref_squeeze %dma_wait3A_24 : memref<1x79x128xi32, #tpu.memory_space<hbm>> -> memref<79x128xi32, #tpu.memory_space<hbm>>
      tpu.wait_dma2 semaphore(%run_scoped3A : memref<!tpu.dma_semaphore, #tpu.memory_space<semaphore_mem>>) src(%dma_wait3A_25 : memref<79x128xi32, #tpu.memory_space<hbm>>) dst(%arg7 : memref<79x128xi32, #tpu.memory_space<vmem>>)
      tpu.yield
    }) : () -> ()
    "tpu.region"() ({
      %run_scoped3A = tpu.sem_alloc : memref<!tpu.dma_semaphore, #tpu.memory_space<semaphore_mem>>
      %dma_start3A = arith.constant 0 : i32
      %dma_start3A_12 = arith.constant 0 : i32
      %dma_start3A_13 = tpu.memref_slice %arg4[%add3A, %dma_start3A, %dma_start3A_12] : memref<32x79x128xi32, #tpu.memory_space<hbm>> -> memref<1x79x128xi32, #tpu.memory_space<hbm>>
      %dma_start3A_14 = tpu.memref_squeeze %dma_start3A_13 : memref<1x79x128xi32, #tpu.memory_space<hbm>> -> memref<79x128xi32, #tpu.memory_space<hbm>>
      %dma_start3A_15 = arith.constant 0 : i32
      %dma_start3A_16 = arith.constant 0 : i32
      %dma_start3A_17 = tpu.memref_slice %arg4[%add3A, %dma_start3A_15, %dma_start3A_16] : memref<32x79x128xi32, #tpu.memory_space<hbm>> -> memref<1x79x128xi32, #tpu.memory_space<hbm>>
      %dma_start3A_18 = tpu.memref_squeeze %dma_start3A_17 : memref<1x79x128xi32, #tpu.memory_space<hbm>> -> memref<79x128xi32, #tpu.memory_space<hbm>>
      tpu.enqueue_dma source(%dma_start3A_18 : memref<79x128xi32, #tpu.memory_space<hbm>>) target(%arg8 : memref<79x128xi32, #tpu.memory_space<vmem>>) target_semaphore(%run_scoped3A : memref<!tpu.dma_semaphore, #tpu.memory_space<semaphore_mem>>)
      %dma_wait3A = arith.constant 0 : i32
      %dma_wait3A_19 = arith.constant 0 : i32
      %dma_wait3A_20 = tpu.memref_slice %arg4[%add3A, %dma_wait3A, %dma_wait3A_19] : memref<32x79x128xi32, #tpu.memory_space<hbm>> -> memref<1x79x128xi32, #tpu.memory_space<hbm>>
      %dma_wait3A_21 = tpu.memref_squeeze %dma_wait3A_20 : memref<1x79x128xi32, #tpu.memory_space<hbm>> -> memref<79x128xi32, #tpu.memory_space<hbm>>
      %dma_wait3A_22 = arith.constant 0 : i32
      %dma_wait3A_23 = arith.constant 0 : i32
      %dma_wait3A_24 = tpu.memref_slice %arg4[%add3A, %dma_wait3A_22, %dma_wait3A_23] : memref<32x79x128xi32, #tpu.memory_space<hbm>> -> memref<1x79x128xi32, #tpu.memory_space<hbm>>
      %dma_wait3A_25 = tpu.memref_squeeze %dma_wait3A_24 : memref<1x79x128xi32, #tpu.memory_space<hbm>> -> memref<79x128xi32, #tpu.memory_space<hbm>>
      tpu.wait_dma2 semaphore(%run_scoped3A : memref<!tpu.dma_semaphore, #tpu.memory_space<semaphore_mem>>) src(%dma_wait3A_25 : memref<79x128xi32, #tpu.memory_space<hbm>>) dst(%arg8 : memref<79x128xi32, #tpu.memory_space<vmem>>)
      tpu.yield
    }) : () -> ()
    %barrier3A = arith.constant 0 : index
    tpu.barrier barrier_id(%barrier3A)
    %scan3A = arith.constant 0 : i32
    %scan3A_3 = arith.constant 79 : i32
    %scan3A_4 = arith.addi %scan3A, %scan3A_3 : i32
    %scan3A_5 = arith.constant 1 : i32
    scf.for %scan3A_12 = %scan3A to %scan3A_4 step %scan3A_5  : i32 {
      %mul3A_13 = arith.constant 1 : i32
      %mul3A_14 = arith.muli %scan3A_12, %mul3A_13 : i32
      %add3A_15 = arith.constant 0 : i32
      %add3A_16 = arith.addi %add3A_15, %mul3A_14 : i32
      %dma_start3A = arith.constant 0 : i32
      %dma_start3A_17 = tpu.memref_slice %arg7[%add3A_16, %dma_start3A] : memref<79x128xi32, #tpu.memory_space<vmem>> -> memref<1x128xi32, #tpu.memory_space<vmem>>
      %dma_start3A_18 = tpu.memref_squeeze %dma_start3A_17 : memref<1x128xi32, #tpu.memory_space<vmem>> -> memref<128xi32, #tpu.memory_space<vmem>>
      %dma_start3A_19 = arith.constant 0 : i32
      %dma_start3A_20 = arith.constant 0 : i32
      %dma_start3A_21 = tpu.memref_slice %arg2[%dma_start3A_19, %dma_start3A_20] : memref<10000x128xf32, #tpu.memory_space<hbm>> -> memref<10000x128xf32, #tpu.memory_space<hbm>>
      tpu.enqueue_indirect_dma source(%dma_start3A_21 : memref<10000x128xf32, #tpu.memory_space<hbm>>) target(%arg9 : memref<128x128xf32, #tpu.memory_space<vmem>>) offsets(%dma_start3A_18 : memref<128xi32, #tpu.memory_space<vmem>>) semaphore(%arg11 : memref<!tpu.dma_semaphore, #tpu.memory_space<semaphore_mem>>)
      %dma_wait3A = arith.constant 0 : i32
      %dma_wait3A_22 = tpu.memref_slice %arg7[%add3A_16, %dma_wait3A] : memref<79x128xi32, #tpu.memory_space<vmem>> -> memref<1x128xi32, #tpu.memory_space<vmem>>
      %dma_wait3A_23 = tpu.memref_squeeze %dma_wait3A_22 : memref<1x128xi32, #tpu.memory_space<vmem>> -> memref<128xi32, #tpu.memory_space<vmem>>
      %dma_wait3A_24 = arith.constant 0 : i32
      %dma_wait3A_25 = arith.constant 0 : i32
      %dma_wait3A_26 = tpu.memref_slice %arg2[%dma_wait3A_24, %dma_wait3A_25] : memref<10000x128xf32, #tpu.memory_space<hbm>> -> memref<10000x128xf32, #tpu.memory_space<hbm>>
      tpu.wait_indirect_dma semaphore(%arg11 : memref<!tpu.dma_semaphore, #tpu.memory_space<semaphore_mem>>) src(%dma_wait3A_26 : memref<10000x128xf32, #tpu.memory_space<hbm>>) dst(%arg9 : memref<128x128xf32, #tpu.memory_space<vmem>>)
      "tpu.region"() ({
        %run_scoped3A = tpu.sem_alloc : memref<!tpu.dma_semaphore, #tpu.memory_space<semaphore_mem>>
        %dma_start3A_27 = arith.constant 0 : i32
        %dma_start3A_28 = tpu.memref_slice %arg8[%add3A_16, %dma_start3A_27] : memref<79x128xi32, #tpu.memory_space<vmem>> -> memref<1x128xi32, #tpu.memory_space<vmem>>
        %dma_start3A_29 = tpu.memref_squeeze %dma_start3A_28 : memref<1x128xi32, #tpu.memory_space<vmem>> -> memref<128xi32, #tpu.memory_space<vmem>>
        %dma_start3A_30 = arith.constant 0 : i32
        %dma_start3A_31 = arith.constant 0 : i32
        %dma_start3A_32 = tpu.memref_slice %arg10[%dma_start3A_30, %dma_start3A_31] : memref<10112x128xf32, #tpu.memory_space<vmem_shared>> -> memref<10112x128xf32, #tpu.memory_space<vmem_shared>>
        tpu.enqueue_indirect_dma source(%arg9 : memref<128x128xf32, #tpu.memory_space<vmem>>) target(%dma_start3A_32 : memref<10112x128xf32, #tpu.memory_space<vmem_shared>>) offsets(%dma_start3A_29 : memref<128xi32, #tpu.memory_space<vmem>>) semaphore(%run_scoped3A : memref<!tpu.dma_semaphore, #tpu.memory_space<semaphore_mem>>) {add = true}
        %dma_wait3A_33 = arith.constant 0 : i32
        %dma_wait3A_34 = tpu.memref_slice %arg8[%add3A_16, %dma_wait3A_33] : memref<79x128xi32, #tpu.memory_space<vmem>> -> memref<1x128xi32, #tpu.memory_space<vmem>>
        %dma_wait3A_35 = tpu.memref_squeeze %dma_wait3A_34 : memref<1x128xi32, #tpu.memory_space<vmem>> -> memref<128xi32, #tpu.memory_space<vmem>>
        %dma_wait3A_36 = arith.constant 0 : i32
        %dma_wait3A_37 = arith.constant 0 : i32
        %dma_wait3A_38 = tpu.memref_slice %arg10[%dma_wait3A_36, %dma_wait3A_37] : memref<10112x128xf32, #tpu.memory_space<vmem_shared>> -> memref<10112x128xf32, #tpu.memory_space<vmem_shared>>
        tpu.wait_indirect_dma semaphore(%run_scoped3A : memref<!tpu.dma_semaphore, #tpu.memory_space<semaphore_mem>>) src(%arg9 : memref<128x128xf32, #tpu.memory_space<vmem>>) dst(%dma_wait3A_38 : memref<10112x128xf32, #tpu.memory_space<vmem_shared>>)
        tpu.yield
      }) : () -> ()
    }
    %scan3A_6 = arith.constant 79 : i32
    %barrier3A_7 = arith.constant 0 : index
    tpu.barrier barrier_id(%barrier3A_7)
    %mul3A_8 = arith.constant 632 : i32
    %mul3A_9 = arith.muli %arg1, %mul3A_8 : i32
    %mul3A_10 = arith.constant 632 : i32
    %mul3A_11 = arith.muli %arg1, %mul3A_10 : i32
    "tpu.region"() ({
      %run_scoped3A = tpu.sem_alloc : memref<!tpu.dma_semaphore, #tpu.memory_space<semaphore_mem>>
      %dma_start3A = arith.constant 0 : i32
      %dma_start3A_12 = tpu.memref_slice %arg6[%arg0, %mul3A_11, %dma_start3A] : memref<2x10112x128xf32, #tpu.memory_space<hbm>> -> memref<1x632x128xf32, #tpu.memory_space<hbm>>
      %dma_start3A_13 = tpu.memref_squeeze %dma_start3A_12 : memref<1x632x128xf32, #tpu.memory_space<hbm>> -> memref<632x128xf32, #tpu.memory_space<hbm>>
      %dma_start3A_14 = arith.constant 0 : i32
      %dma_start3A_15 = tpu.memref_slice %arg10[%mul3A_9, %dma_start3A_14] : memref<10112x128xf32, #tpu.memory_space<vmem_shared>> -> memref<632x128xf32, #tpu.memory_space<vmem_shared>>
      tpu.enqueue_dma source(%dma_start3A_15 : memref<632x128xf32, #tpu.memory_space<vmem_shared>>) target(%dma_start3A_13 : memref<632x128xf32, #tpu.memory_space<hbm>>) target_semaphore(%run_scoped3A : memref<!tpu.dma_semaphore, #tpu.memory_space<semaphore_mem>>)
      %dma_wait3A = arith.constant 0 : i32
      %dma_wait3A_16 = tpu.memref_slice %arg6[%arg0, %mul3A_11, %dma_wait3A] : memref<2x10112x128xf32, #tpu.memory_space<hbm>> -> memref<1x632x128xf32, #tpu.memory_space<hbm>>
      %dma_wait3A_17 = tpu.memref_squeeze %dma_wait3A_16 : memref<1x632x128xf32, #tpu.memory_space<hbm>> -> memref<632x128xf32, #tpu.memory_space<hbm>>
      %dma_wait3A_18 = arith.constant 0 : i32
      %dma_wait3A_19 = tpu.memref_slice %arg10[%mul3A_9, %dma_wait3A_18] : memref<10112x128xf32, #tpu.memory_space<vmem_shared>> -> memref<632x128xf32, #tpu.memory_space<vmem_shared>>
      tpu.wait_dma2 semaphore(%run_scoped3A : memref<!tpu.dma_semaphore, #tpu.memory_space<semaphore_mem>>) src(%dma_wait3A_19 : memref<632x128xf32, #tpu.memory_space<vmem_shared>>) dst(%dma_wait3A_17 : memref<632x128xf32, #tpu.memory_space<hbm>>)
      tpu.yield
    }) : () -> ()
    return
  }
}

module attributes {stable_mosaic.version = 14 : i64} {
  func.func @_gin_layer_body(%arg0: memref<10000x128xf32, #tpu.memory_space<vmem>>, %arg1: memref<2x10112x128xf32, #tpu.memory_space<vmem>>, %arg2: memref<128x128xf32, #tpu.memory_space<vmem>>, %arg3: memref<1x128xf32, #tpu.memory_space<vmem>>, %arg4: memref<1x128xf32, #tpu.memory_space<vmem>>, %arg5: memref<1x128xf32, #tpu.memory_space<vmem>>, %arg6: memref<128x128xf32, #tpu.memory_space<vmem>>, %arg7: memref<1x128xf32, #tpu.memory_space<vmem>>, %arg8: memref<10000x128xf32, #tpu.memory_space<vmem>>) attributes {dimension_semantics = [], scalar_prefetch = 0 : i64, scratch_operands = 0 : i64, tpu.core_type = #tpu.core_type<tc>} {
    %get3A = arith.constant 0 : index
    %get3A_0 = arith.constant 0 : index
    %get3A_1 = vector.load %arg0[%get3A, %get3A_0] : memref<10000x128xf32, #tpu.memory_space<vmem>>, vector<10000x128xf32>
    %get3A_2 = arith.constant 0 : index
    %get3A_3 = arith.constant 0 : index
    %get3A_4 = arith.constant 0 : index
    %get3A_5 = vector.load %arg1[%get3A_2, %get3A_3, %get3A_4] : memref<2x10112x128xf32, #tpu.memory_space<vmem>>, vector<1x10000x128xf32>
    %get3A_6 = vector.shape_cast %get3A_5 : vector<1x10000x128xf32> to vector<10000x128xf32>
    %add3A = arith.addf %get3A_1, %get3A_6 : vector<10000x128xf32>
    %get3A_7 = arith.constant 1 : index
    %get3A_8 = arith.constant 0 : index
    %get3A_9 = arith.constant 0 : index
    %get3A_10 = vector.load %arg1[%get3A_7, %get3A_8, %get3A_9] : memref<2x10112x128xf32, #tpu.memory_space<vmem>>, vector<1x10000x128xf32>
    %get3A_11 = vector.shape_cast %get3A_10 : vector<1x10000x128xf32> to vector<10000x128xf32>
    %add3A_12 = arith.addf %add3A, %get3A_11 : vector<10000x128xf32>
    %get3A_13 = arith.constant 0 : index
    %get3A_14 = arith.constant 0 : index
    %get3A_15 = vector.load %arg2[%get3A_13, %get3A_14] : memref<128x128xf32, #tpu.memory_space<vmem>>, vector<128x128xf32>
    %dot_general3A = arith.constant dense<0.000000e+00> : vector<10000x128xf32>
    %dot_general3A_16 = tpu.matmul %add3A_12, %get3A_15, %dot_general3A {dimension_numbers = #tpu.dot_dimension_numbers<[1], [0], [0], [1], [0, 0, 1, 1], [], []>, transpose_lhs_hint = false} : vector<10000x128xf32>, vector<128x128xf32>, vector<10000x128xf32> -> vector<10000x128xf32>
    %get3A_17 = arith.constant 0 : index
    %get3A_18 = arith.constant 0 : index
    %get3A_19 = vector.load %arg3[%get3A_17, %get3A_18] : memref<1x128xf32, #tpu.memory_space<vmem>>, vector<1x128xf32>
    %add3A_20 = vector.broadcast %get3A_19 : vector<1x128xf32> to vector<10000x128xf32>
    %add3A_21 = arith.addf %dot_general3A_16, %add3A_20 : vector<10000x128xf32>
    %reduce_sum3A = arith.constant dense<0.000000e+00> : vector<128xf32>
    %reduce_sum3A_22 = vector.multi_reduction <add>, %add3A_21, %reduce_sum3A [0] : vector<10000x128xf32> to vector<128xf32>
    %broadcast_in_dim3A = vector.shape_cast %reduce_sum3A_22 : vector<128xf32> to vector<1x128xf32>
    %div3A = arith.constant 1.000000e+04 : f32
    %div3A_23 = vector.broadcast %div3A : f32 to vector<1x128xf32>
    %div3A_24 = arith.divf %broadcast_in_dim3A, %div3A_23 : vector<1x128xf32>
    %sub3A = vector.broadcast %div3A_24 : vector<1x128xf32> to vector<10000x128xf32>
    %sub3A_25 = arith.subf %add3A_21, %sub3A : vector<10000x128xf32>
    %square3A = arith.mulf %sub3A_25, %sub3A_25 : vector<10000x128xf32>
    %reduce_sum3A_26 = arith.constant dense<0.000000e+00> : vector<128xf32>
    %reduce_sum3A_27 = vector.multi_reduction <add>, %square3A, %reduce_sum3A_26 [0] : vector<10000x128xf32> to vector<128xf32>
    %broadcast_in_dim3A_28 = vector.shape_cast %reduce_sum3A_27 : vector<128xf32> to vector<1x128xf32>
    %div3A_29 = arith.constant 1.000000e+04 : f32
    %div3A_30 = vector.broadcast %div3A_29 : f32 to vector<1x128xf32>
    %div3A_31 = arith.divf %broadcast_in_dim3A_28, %div3A_30 : vector<1x128xf32>
    %sub3A_32 = vector.broadcast %div3A_24 : vector<1x128xf32> to vector<10000x128xf32>
    %sub3A_33 = arith.subf %add3A_21, %sub3A_32 : vector<10000x128xf32>
    %add3A_34 = arith.constant 9.99999974E-6 : f32
    %add3A_35 = vector.broadcast %add3A_34 : f32 to vector<1x128xf32>
    %add3A_36 = arith.addf %div3A_31, %add3A_35 : vector<1x128xf32>
    %rsqrt3A = math.rsqrt %add3A_36 : vector<1x128xf32>
    %mul3A = vector.broadcast %rsqrt3A : vector<1x128xf32> to vector<10000x128xf32>
    %mul3A_37 = arith.mulf %sub3A_33, %mul3A : vector<10000x128xf32>
    %get3A_38 = arith.constant 0 : index
    %get3A_39 = arith.constant 0 : index
    %get3A_40 = vector.load %arg4[%get3A_38, %get3A_39] : memref<1x128xf32, #tpu.memory_space<vmem>>, vector<1x128xf32>
    %mul3A_41 = vector.broadcast %get3A_40 : vector<1x128xf32> to vector<10000x128xf32>
    %mul3A_42 = arith.mulf %mul3A_37, %mul3A_41 : vector<10000x128xf32>
    %get3A_43 = arith.constant 0 : index
    %get3A_44 = arith.constant 0 : index
    %get3A_45 = vector.load %arg5[%get3A_43, %get3A_44] : memref<1x128xf32, #tpu.memory_space<vmem>>, vector<1x128xf32>
    %add3A_46 = vector.broadcast %get3A_45 : vector<1x128xf32> to vector<10000x128xf32>
    %add3A_47 = arith.addf %mul3A_42, %add3A_46 : vector<10000x128xf32>
    %max3A = arith.constant 0.000000e+00 : f32
    %max3A_48 = vector.broadcast %max3A : f32 to vector<10000x128xf32>
    %max3A_49 = arith.maximumf %add3A_47, %max3A_48 : vector<10000x128xf32>
    %get3A_50 = arith.constant 0 : index
    %get3A_51 = arith.constant 0 : index
    %get3A_52 = vector.load %arg6[%get3A_50, %get3A_51] : memref<128x128xf32, #tpu.memory_space<vmem>>, vector<128x128xf32>
    %dot_general3A_53 = arith.constant dense<0.000000e+00> : vector<10000x128xf32>
    %dot_general3A_54 = tpu.matmul %max3A_49, %get3A_52, %dot_general3A_53 {dimension_numbers = #tpu.dot_dimension_numbers<[1], [0], [0], [1], [0, 0, 1, 1], [], []>, transpose_lhs_hint = false} : vector<10000x128xf32>, vector<128x128xf32>, vector<10000x128xf32> -> vector<10000x128xf32>
    %get3A_55 = arith.constant 0 : index
    %get3A_56 = arith.constant 0 : index
    %get3A_57 = vector.load %arg7[%get3A_55, %get3A_56] : memref<1x128xf32, #tpu.memory_space<vmem>>, vector<1x128xf32>
    %add3A_58 = vector.broadcast %get3A_57 : vector<1x128xf32> to vector<10000x128xf32>
    %add3A_59 = arith.addf %dot_general3A_54, %add3A_58 : vector<10000x128xf32>
    %max3A_60 = arith.constant 0.000000e+00 : f32
    %max3A_61 = vector.broadcast %max3A_60 : f32 to vector<10000x128xf32>
    %max3A_62 = arith.maximumf %add3A_59, %max3A_61 : vector<10000x128xf32>
    %swap3A = arith.constant 0 : index
    %swap3A_63 = arith.constant 0 : index
    %swap3A_64 = vector.load %arg8[%swap3A, %swap3A_63] : memref<10000x128xf32, #tpu.memory_space<vmem>>, vector<10000x128xf32>
    tpu.vector_store %arg8[%swap3A, %swap3A_63], %max3A_62 {strides = array<i32>} : memref<10000x128xf32, #tpu.memory_space<vmem>>, vector<10000x128xf32>,
    return
  }
}

module attributes {stable_mosaic.version = 14 : i64} {
  func.func @_final_body(%arg0: memref<10000x128xf32, #tpu.memory_space<vmem>>, %arg1: memref<2x10112x128xf32, #tpu.memory_space<vmem>>, %arg2: memref<128x128xf32, #tpu.memory_space<vmem>>, %arg3: memref<1x128xf32, #tpu.memory_space<vmem>>, %arg4: memref<1x128xf32, #tpu.memory_space<vmem>>, %arg5: memref<1x128xf32, #tpu.memory_space<vmem>>, %arg6: memref<128x128xf32, #tpu.memory_space<vmem>>, %arg7: memref<1x128xf32, #tpu.memory_space<vmem>>, %arg8: memref<128x128xf32, #tpu.memory_space<vmem>>, %arg9: memref<1x128xf32, #tpu.memory_space<vmem>>, %arg10: memref<128x64xf32, #tpu.memory_space<vmem>>, %arg11: memref<1x64xf32, #tpu.memory_space<vmem>>, %arg12: memref<10000x64xf32, #tpu.memory_space<vmem>>) attributes {dimension_semantics = [], scalar_prefetch = 0 : i64, scratch_operands = 0 : i64, tpu.core_type = #tpu.core_type<tc>} {
    %get3A = arith.constant 0 : index
    %get3A_0 = arith.constant 0 : index
    %get3A_1 = vector.load %arg0[%get3A, %get3A_0] : memref<10000x128xf32, #tpu.memory_space<vmem>>, vector<10000x128xf32>
    %get3A_2 = arith.constant 0 : index
    %get3A_3 = arith.constant 0 : index
    %get3A_4 = arith.constant 0 : index
    %get3A_5 = vector.load %arg1[%get3A_2, %get3A_3, %get3A_4] : memref<2x10112x128xf32, #tpu.memory_space<vmem>>, vector<1x10000x128xf32>
    %get3A_6 = vector.shape_cast %get3A_5 : vector<1x10000x128xf32> to vector<10000x128xf32>
    %add3A = arith.addf %get3A_1, %get3A_6 : vector<10000x128xf32>
    %get3A_7 = arith.constant 1 : index
    %get3A_8 = arith.constant 0 : index
    %get3A_9 = arith.constant 0 : index
    %get3A_10 = vector.load %arg1[%get3A_7, %get3A_8, %get3A_9] : memref<2x10112x128xf32, #tpu.memory_space<vmem>>, vector<1x10000x128xf32>
    %get3A_11 = vector.shape_cast %get3A_10 : vector<1x10000x128xf32> to vector<10000x128xf32>
    %add3A_12 = arith.addf %add3A, %get3A_11 : vector<10000x128xf32>
    %get3A_13 = arith.constant 0 : index
    %get3A_14 = arith.constant 0 : index
    %get3A_15 = vector.load %arg2[%get3A_13, %get3A_14] : memref<128x128xf32, #tpu.memory_space<vmem>>, vector<128x128xf32>
    %dot_general3A = arith.constant dense<0.000000e+00> : vector<10000x128xf32>
    %dot_general3A_16 = tpu.matmul %add3A_12, %get3A_15, %dot_general3A {dimension_numbers = #tpu.dot_dimension_numbers<[1], [0], [0], [1], [0, 0, 1, 1], [], []>, transpose_lhs_hint = false} : vector<10000x128xf32>, vector<128x128xf32>, vector<10000x128xf32> -> vector<10000x128xf32>
    %get3A_17 = arith.constant 0 : index
    %get3A_18 = arith.constant 0 : index
    %get3A_19 = vector.load %arg3[%get3A_17, %get3A_18] : memref<1x128xf32, #tpu.memory_space<vmem>>, vector<1x128xf32>
    %add3A_20 = vector.broadcast %get3A_19 : vector<1x128xf32> to vector<10000x128xf32>
    %add3A_21 = arith.addf %dot_general3A_16, %add3A_20 : vector<10000x128xf32>
    %reduce_sum3A = arith.constant dense<0.000000e+00> : vector<128xf32>
    %reduce_sum3A_22 = vector.multi_reduction <add>, %add3A_21, %reduce_sum3A [0] : vector<10000x128xf32> to vector<128xf32>
    %broadcast_in_dim3A = vector.shape_cast %reduce_sum3A_22 : vector<128xf32> to vector<1x128xf32>
    %div3A = arith.constant 1.000000e+04 : f32
    %div3A_23 = vector.broadcast %div3A : f32 to vector<1x128xf32>
    %div3A_24 = arith.divf %broadcast_in_dim3A, %div3A_23 : vector<1x128xf32>
    %sub3A = vector.broadcast %div3A_24 : vector<1x128xf32> to vector<10000x128xf32>
    %sub3A_25 = arith.subf %add3A_21, %sub3A : vector<10000x128xf32>
    %square3A = arith.mulf %sub3A_25, %sub3A_25 : vector<10000x128xf32>
    %reduce_sum3A_26 = arith.constant dense<0.000000e+00> : vector<128xf32>
    %reduce_sum3A_27 = vector.multi_reduction <add>, %square3A, %reduce_sum3A_26 [0] : vector<10000x128xf32> to vector<128xf32>
    %broadcast_in_dim3A_28 = vector.shape_cast %reduce_sum3A_27 : vector<128xf32> to vector<1x128xf32>
    %div3A_29 = arith.constant 1.000000e+04 : f32
    %div3A_30 = vector.broadcast %div3A_29 : f32 to vector<1x128xf32>
    %div3A_31 = arith.divf %broadcast_in_dim3A_28, %div3A_30 : vector<1x128xf32>
    %sub3A_32 = vector.broadcast %div3A_24 : vector<1x128xf32> to vector<10000x128xf32>
    %sub3A_33 = arith.subf %add3A_21, %sub3A_32 : vector<10000x128xf32>
    %add3A_34 = arith.constant 9.99999974E-6 : f32
    %add3A_35 = vector.broadcast %add3A_34 : f32 to vector<1x128xf32>
    %add3A_36 = arith.addf %div3A_31, %add3A_35 : vector<1x128xf32>
    %rsqrt3A = math.rsqrt %add3A_36 : vector<1x128xf32>
    %mul3A = vector.broadcast %rsqrt3A : vector<1x128xf32> to vector<10000x128xf32>
    %mul3A_37 = arith.mulf %sub3A_33, %mul3A : vector<10000x128xf32>
    %get3A_38 = arith.constant 0 : index
    %get3A_39 = arith.constant 0 : index
    %get3A_40 = vector.load %arg4[%get3A_38, %get3A_39] : memref<1x128xf32, #tpu.memory_space<vmem>>, vector<1x128xf32>
    %mul3A_41 = vector.broadcast %get3A_40 : vector<1x128xf32> to vector<10000x128xf32>
    %mul3A_42 = arith.mulf %mul3A_37, %mul3A_41 : vector<10000x128xf32>
    %get3A_43 = arith.constant 0 : index
    %get3A_44 = arith.constant 0 : index
    %get3A_45 = vector.load %arg5[%get3A_43, %get3A_44] : memref<1x128xf32, #tpu.memory_space<vmem>>, vector<1x128xf32>
    %add3A_46 = vector.broadcast %get3A_45 : vector<1x128xf32> to vector<10000x128xf32>
    %add3A_47 = arith.addf %mul3A_42, %add3A_46 : vector<10000x128xf32>
    %max3A = arith.constant 0.000000e+00 : f32
    %max3A_48 = vector.broadcast %max3A : f32 to vector<10000x128xf32>
    %max3A_49 = arith.maximumf %add3A_47, %max3A_48 : vector<10000x128xf32>
    %get3A_50 = arith.constant 0 : index
    %get3A_51 = arith.constant 0 : index
    %get3A_52 = vector.load %arg6[%get3A_50, %get3A_51] : memref<128x128xf32, #tpu.memory_space<vmem>>, vector<128x128xf32>
    %dot_general3A_53 = arith.constant dense<0.000000e+00> : vector<10000x128xf32>
    %dot_general3A_54 = tpu.matmul %max3A_49, %get3A_52, %dot_general3A_53 {dimension_numbers = #tpu.dot_dimension_numbers<[1], [0], [0], [1], [0, 0, 1, 1], [], []>, transpose_lhs_hint = false} : vector<10000x128xf32>, vector<128x128xf32>, vector<10000x128xf32> -> vector<10000x128xf32>
    %get3A_55 = arith.constant 0 : index
    %get3A_56 = arith.constant 0 : index
    %get3A_57 = vector.load %arg7[%get3A_55, %get3A_56] : memref<1x128xf32, #tpu.memory_space<vmem>>, vector<1x128xf32>
    %add3A_58 = vector.broadcast %get3A_57 : vector<1x128xf32> to vector<10000x128xf32>
    %add3A_59 = arith.addf %dot_general3A_54, %add3A_58 : vector<10000x128xf32>
    %max3A_60 = arith.constant 0.000000e+00 : f32
    %max3A_61 = vector.broadcast %max3A_60 : f32 to vector<10000x128xf32>
    %max3A_62 = arith.maximumf %add3A_59, %max3A_61 : vector<10000x128xf32>
    %get3A_63 = arith.constant 0 : index
    %get3A_64 = arith.constant 0 : index
    %get3A_65 = vector.load %arg8[%get3A_63, %get3A_64] : memref<128x128xf32, #tpu.memory_space<vmem>>, vector<128x128xf32>
    %dot_general3A_66 = arith.constant dense<0.000000e+00> : vector<10000x128xf32>
    %dot_general3A_67 = tpu.matmul %max3A_62, %get3A_65, %dot_general3A_66 {dimension_numbers = #tpu.dot_dimension_numbers<[1], [0], [0], [1], [0, 0, 1, 1], [], []>, transpose_lhs_hint = false} : vector<10000x128xf32>, vector<128x128xf32>, vector<10000x128xf32> -> vector<10000x128xf32>
    %get3A_68 = arith.constant 0 : index
    %get3A_69 = arith.constant 0 : index
    %get3A_70 = vector.load %arg9[%get3A_68, %get3A_69] : memref<1x128xf32, #tpu.memory_space<vmem>>, vector<1x128xf32>
    %add3A_71 = vector.broadcast %get3A_70 : vector<1x128xf32> to vector<10000x128xf32>
    %add3A_72 = arith.addf %dot_general3A_67, %add3A_71 : vector<10000x128xf32>
    %max3A_73 = arith.constant 0.000000e+00 : f32
    %max3A_74 = vector.broadcast %max3A_73 : f32 to vector<10000x128xf32>
    %max3A_75 = arith.maximumf %add3A_72, %max3A_74 : vector<10000x128xf32>
    %get3A_76 = arith.constant 0 : index
    %get3A_77 = arith.constant 0 : index
    %get3A_78 = vector.load %arg10[%get3A_76, %get3A_77] : memref<128x64xf32, #tpu.memory_space<vmem>>, vector<128x64xf32>
    %dot_general3A_79 = arith.constant dense<0.000000e+00> : vector<10000x64xf32>
    %dot_general3A_80 = tpu.matmul %max3A_75, %get3A_78, %dot_general3A_79 {dimension_numbers = #tpu.dot_dimension_numbers<[1], [0], [0], [1], [0, 0, 1, 1], [], []>, transpose_lhs_hint = false} : vector<10000x128xf32>, vector<128x64xf32>, vector<10000x64xf32> -> vector<10000x64xf32>
    %get3A_81 = arith.constant 0 : index
    %get3A_82 = arith.constant 0 : index
    %get3A_83 = vector.load %arg11[%get3A_81, %get3A_82] : memref<1x64xf32, #tpu.memory_space<vmem>>, vector<1x64xf32>
    %add3A_84 = vector.broadcast %get3A_83 : vector<1x64xf32> to vector<10000x64xf32>
    %add3A_85 = arith.addf %dot_general3A_80, %add3A_84 : vector<10000x64xf32>
    %swap3A = arith.constant 0 : index
    %swap3A_86 = arith.constant 0 : index
    %swap3A_87 = vector.load %arg12[%swap3A, %swap3A_86] : memref<10000x64xf32, #tpu.memory_space<vmem>>, vector<10000x64xf32>
    tpu.vector_store %arg12[%swap3A, %swap3A_86], %add3A_85 {strides = array<i32>} : memref<10000x64xf32, #tpu.memory_space<vmem>>, vector<10000x64xf32>,
    return
  }
}

</mosaic_0001>

<sc_bundles>
// kernel: kernel.6.cloned.1.call-start
scs
__scs_entry_jumppad:
0x0: {  	(pc) =	sbr.rel $0x88, $3  }
0x1: {  	(tag) =	ssettag $0x0;
	lr =	simm.s32 $0x1  }
0x2: {  	[smem:$0x3F8F] =	sst lr;
	_ =	strace $0xD0000000  }
0x3: {  	_ = 	snop  }
0x4: {  	_ = 	snop  }
0x5: {  	_ = 	snop  }
0x6: {  	_ = 	snop  }
0x7: {  	_ = 	snop  }
__scs_overlays_trampoline_lowered:
0x8: {  	[smem:$0x3F9E] =	sst s0  }
0x9: {  	[smem:$0x3F9F] =	sst s1  }
0xa: {  	[smem:$0x3FA0] =	sst s2  }
0xb: {  	[smem:$0x3FA1] =	sst s3  }
0xc: {  	[smem:$0x3FA2] =	sst s4  }
0xd: {  	[smem:$0x3FA3] =	sst s5  }
0xe: {  	[smem:$0x3FA4] =	sst s6  }
0xf: {  	[smem:$0x3FA5] =	sst s7  }
0x10: {  	[smem:$0x3FA6] =	sst s8  }
0x11: {  	[smem:$0x3FA7] =	sst s9;
	s0 =	simm.s32 @!p0 $0x0  }
0x12: {  	s1 =	sld [smem:$0x3F8D];
	s0 =	simm.s32 @p0 $0x1  }
0x13: {  	[smem:$0x3FA8] =	sst s0;
	s0 =	simm.s32 @!p1 $0x0  }
0x14: {  	s2 =	sld [smem:$0x3F8C];
	s0 =	simm.s32 @p1 $0x1  }
0x15: {  	[smem:$0x3FA9] =	sst s0;
	s0 =	simm.s32 @!p2 $0x0  }
0x16: {  	s3 =	sld [smem:$0x3FDB];
	s0 =	simm.s32 @p2 $0x1  }
0x17: {  	s4 =	simm.s32 $0x1BF5;
	[smem:$0x3FAB] =	sst s0  }
0x18: {  	s0 =	sld [smem:$0x3F8E];
	_ =	swait.ge [sflag:s4], $0x0  }
0x19: {  	s7 =	sld [smem:$0x3F8F]  }
0x1a: {  	s8 =	sadd.s32 $0xFFFFE003, lr  }
0x1b: {  	s9 =	sadd.s32 $0xFFFFFEF7, lr;
	s5 =	simm.s32 $0xFFFFFFFF;
	p2 =	slt.u32 s8, $0xFFFFF086  }
0x1c: {  	p1 =	slt.u32 s9, $0xF7A;
	s5 =	simm.s32 @!p2 $0x0  }
0x1d: {  	s5 =	simm.s32 @p1 $0x1;
	p0 =	seq.s32 s7, s2  }
0x1e: {  	s7 =	smul.u32 @!p0 $0xF7A, s2;
	p2 =	seq.s32 @!p0 s5, $0x0  }
0x1f: {  	s9 =	smul.u32 $0xF7A, s1;
	s8 =	simm.s32 @!p0 $0x1BF5;
	p2 =	por !p2, p0  }
0x20: {  	[sflag:s8] =	ssyncset.s32 @!p0 $0xFFFFF086;
	s6 =	sadd.s32 @!p0 s3, s7;
	s7 =	simm.s32 @!p0 $0x108  }
0x21: {  	s3 =	sadd.s32 s3, s9;
	s6 =	sadd.s32 @!p0 $0x88, s6;
	s7 =	simm.s32 @p2 $0x1082  }
0x22: {  	[simem:s7], [sflag:s8] =	dma.local @!p0 [hbm:s6], $0xF7A  }
0x23: {  	s9 =	sor.u32 $0xD0000000, s2;
	s6 =	simm.s32 $0x108;
	_ =	swait.ge @!p0 [sflag:s8], $0x0  }
0x24: {  	s3 =	sadd.s32 $0x88, s3;
	s6 =	simm.s32 @!p1 $0x1082;
	[sflag:s4] =	ssyncset.s32 $0xFFFFF086  }
0x25: {  	[simem:s6], [sflag:s4] =	dma.local [hbm:s3], $0xF7A  }
0x26: {  	[smem:$0x3F8F] =	sst s1;
	(tag) =	ssettag s2;
	_ =	strace s9  }
0x27: {  	s1 =	sld [smem:$0x3F9F]  }
0x28: {  	s2 =	sld [smem:$0x3FA0]  }
0x29: {  	s4 =	sld [smem:$0x3FA2]  }
0x2a: {  	p0 =	seq.s32 s5, $0x0;
	s5 =	sld [smem:$0x3FA3]  }
0x2b: {  	s6 =	sld [smem:$0x3FA4]  }
0x2c: {  	s7 =	sld [smem:$0x3FA5]  }
0x2d: {  	s3 =	simm.s32 $0x108;
	s8 =	sld [smem:$0x3FA6]  }
0x2e: {  	s3 =	simm.s32 @!p0 $0x1082;
	s9 =	sld [smem:$0x3FA7]  }
0x2f: {  	lr =	sadd.s32 s0, s3;
	s0 =	sld [smem:$0x3F9E]  }
0x30: {  	s3 =	sld [smem:$0x3FA1]  }
0x31: {  	[smem:$0x3FAA] =	sst s10  }
0x32: {  	s10 =	sld [smem:$0x3FA8];
	_ =	sdelay $0x3  }
0x33: {  	p0 =	seq.s32 s10, $0x1;
	s10 =	sld [smem:$0x3FAA];
	_ =	sdelay $0x3  }
0x34: {  	[smem:$0x3FAA] =	sst s10  }
0x35: {  	s10 =	sld [smem:$0x3FA9];
	_ =	sdelay $0x3  }
0x36: {  	p1 =	seq.s32 s10, $0x1;
	s10 =	sld [smem:$0x3FAA];
	_ =	sdelay $0x3  }
0x37: {  	[smem:$0x3FAA] =	sst s10  }
0x38: {  	s10 =	sld [smem:$0x3FAB]  }
0x39: {  	_ = 	snop;
	(pc) =	sbr.ind lr, $3  }
0x3a: {  	_ = 	snop  }
0x3b: {  	_ = 	snop  }
0x3c: {  	p2 =	seq.s32 s10, $0x1;
	s10 =	sld [smem:$0x3FAA]  }
0x3d: {  	_ =	shalt  }
0x3e: {  	_ =	shalt  }
0x3f: {  	_ =	shalt  }
0x40: {  	_ =	shalt  }
0x41: {  	_ =	shalt  }
0x42: {  	_ =	shalt  }
0x43: {  	_ =	shalt  }
0x44: {  	_ =	shalt  }
0x45: {  	_ =	shalt  }
0x46: {  	_ =	shalt  }
0x47: {  	_ =	shalt  }
0x48: {  	_ =	shalt  }
0x49: {  	_ =	shalt  }
0x4a: {  	_ =	shalt  }
0x4b: {  	_ =	shalt  }
0x4c: {  	_ =	shalt  }
0x4d: {  	_ =	shalt  }
0x4e: {  	_ =	shalt  }
0x4f: {  	_ =	shalt  }
0x50: {  	_ =	shalt  }
0x51: {  	_ =	shalt  }
0x52: {  	_ =	shalt  }
0x53: {  	_ =	shalt  }
0x54: {  	_ =	shalt  }
0x55: {  	_ =	shalt  }
0x56: {  	_ =	shalt  }
0x57: {  	_ =	shalt  }
0x58: {  	_ =	shalt  }
0x59: {  	_ =	shalt  }
0x5a: {  	_ =	shalt  }
0x5b: {  	_ =	shalt  }
0x5c: {  	_ =	shalt  }
0x5d: {  	_ =	shalt  }
0x5e: {  	_ =	shalt  }
0x5f: {  	_ =	shalt  }
0x60: {  	_ =	shalt  }
0x61: {  	_ =	shalt  }
0x62: {  	_ =	shalt  }
0x63: {  	_ =	shalt  }
0x64: {  	_ =	shalt  }
0x65: {  	_ =	shalt  }
0x66: {  	_ =	shalt  }
0x67: {  	_ =	shalt  }
0x68: {  	_ =	shalt  }
0x69: {  	_ =	shalt  }
0x6a: {  	_ =	shalt  }
0x6b: {  	_ =	shalt  }
0x6c: {  	_ =	shalt  }
0x6d: {  	_ =	shalt  }
0x6e: {  	_ =	shalt  }
0x6f: {  	_ =	shalt  }
0x70: {  	_ =	shalt  }
0x71: {  	_ =	shalt  }
0x72: {  	_ =	shalt  }
0x73: {  	_ =	shalt  }
0x74: {  	_ =	shalt  }
0x75: {  	_ =	shalt  }
0x76: {  	_ =	shalt  }
0x77: {  	_ =	shalt  }
0x78: {  	_ =	shalt  }
0x79: {  	_ =	shalt  }
0x7a: {  	_ =	shalt  }
0x7b: {  	_ =	shalt  }
0x7c: {  	_ =	shalt  }
0x7d: {  	_ =	shalt  }
0x7e: {  	_ =	shalt  }
0x7f: {  	_ =	shalt  }
0x80: {  	_ =	shalt  }
0x81: {  	_ =	shalt  }
0x82: {  	_ =	shalt  }
0x83: {  	_ =	shalt  }
0x84: {  	_ =	shalt  }
0x85: {  	_ =	shalt  }
0x86: {  	_ =	shalt  }
0x87: {  	_ =	shalt  }
.Lfunc_end0:
.L_simem_size_0:
called_computation_lowered:
.L_overlay_start_0:
0x88: {  	s2 =	sld [smem:$0x3FD9]  }
0x89: {  	s3 =	sld [smem:$0x3FFE];
	_ =	sdelay $0x1  }
0x8a: {  	s1 =	srdreg.scid  }
0x8b: {  	s0 =	sand.u32 $0x1, s1  }
0x8c: {  	s17 =	sshll.u32 s0, $0xA;
	s2 =	sadd.s32 s3, s2  }
0x8d: {  	s2 =	sadd.s32 s2, s17  }
0x8e: {  	[smem:$0x3FB6] =	sst s2  }
0x8f: {  	_ = 	snop  }
0x90: {  	s2 =	sld [smem:$0x3FC9]  }
0x91: {  	s18 =	sld [smem:$0x3FD0];
	(tm) =	ssettm $0x1  }
0x92: {  	s4 =	sld [smem:$0x3FFB];
	_ =	sdelay $0x3  }
0x93: {  	_ =	strace s4  }
0x94: {  	s4 =	sld [smem:$0x3FFC];
	_ =	sdelay $0x3  }
0x95: {  	_ =	strace s4  }
0x96: {  	s4 =	sld [smem:$0x3FFD];
	_ =	sdelay $0x3  }
0x97: {  	_ =	strace s4  }
0x98: {  	_ =	strace $0x8FFFFFFF  }
0x99: {  	s19 =	sld [smem:$0x3FDB];
	_ =	sdelay $0x1  }
0x9a: {  	s5 =	simm.s32 $_scs_section_size  }
0x9b: {  	s6 =	simm.s32 $_size__tile_overlayer_lowered;
	s7 =	simm.s32 $_tile_overlayer_lowered  }
0x9c: {  	s22 =	simm.s32 $0x1BFF;
	s21 =	sshll.u32 s7, $0x1;
	s4 =	sadd.s32 s5, s19  }
0x9d: {  	s8 =	simm.s32 $0x0;
	s20 =	sshll.u32 s6, $0x1;
	s6 =	sadd.s32 s21, s4  }
0x9e: {  	[timem:s8], [sflag:s22] =	dma.local [hbm:s6], s20  }
0x9f: {  	_ =	swait.ge [sflag:s22], s20  }
0xa0: {  	s5 =	ssub.s32 $0x0, s20;
	[sflag:s22] =	ssyncset.done $0x0  }
0xa1: {  	[sflag:s22] =	ssyncadd.s32 s5;
	_ =	sdelay $0x1  }
0xa2: {  	s23 =	simm.s32 $0x1B8B  }
0xa3: {  	_ =	swait.ge [sflag:s23], $0x1  }
0xa4: {  	[sflag:s23] =	ssyncset.done $0x0  }
0xa5: {  	s25 =	simm.s32 $0x1B8E;
	s24 =	sld [smem:$0x3FFE];
	[sflag:s23] =	ssyncadd.s32 $0xFFFFFFFF  }
0xa6: {  	s26 =	simm.s32 $execute0_lowered;
	[smem:$0x3FD2] =	sst s25  }
0xa7: {  	s6 =	sshll.u32 s26, $0x1;
	_ =	strace $0x80000046;
	[dreg:$0x1] =	wrdreg $0xFFFFFFFF  }
0xa8: {  	s28 =	simm.s32 $_size_execute0_lowered;
	s4 =	sadd.s32 s4, s6;
	[dreg:$0x0] =	wrdreg $0x0  }
0xa9: {  	s6 =	sshll.u32 s28, $0x1;
	[dreg:$0x2] =	wrdreg s4  }
0xaa: {  	[dreg:$0x3] =	wrdreg s6  }
0xab: {  	[dreg:$0x4] =	wrdreg $0xC0  }
0xac: {  	_ =	task [dreg:s8], $0x5FFFF  }
0xad: {  	[dreg:$0x1] =	wrdreg $0xFFFFFFFF  }
0xae: {  	[dreg:$0x0] =	wrdreg $0x60  }
0xaf: {  	[dreg:$0x2] =	wrdreg s2  }
0xb0: {  	[dreg:$0x3] =	wrdreg s18  }
0xb1: {  	[dreg:$0x4] =	wrdreg s24  }
0xb2: {  	[dreg:$0x5] =	wrdreg $0x90000  }
0xb3: {  	[dreg:$0x6] =	wrdreg $0x9  }
0xb4: {  	_ =	task.clear_ibuf [dreg:s8], $0x7FFFF;
	_ =	strace $0x90000046  }
0xb5: {  	s29 =	simm.s32 $0x9;
	_ =	strace $0x80000048  }
0xb6: {  	_ =	swait.ge [sflag:s29], $0x1  }
0xb7: {  	[sflag:s29] =	ssyncadd.s32 $0xFFFFFFFF  }
0xb8: {  	_ =	strace $0x90000048  }
0xb9: {  	_ =	sfence  }
0xba: {  	s30 =	sld [smem:$0x0];
	_ =	sdelay $0x2  }
0xbb: {  	s31 =	sshll.u32 s1, $0xD;
	s1 =	sshrl.u32 s1, $0x2  }
0xbc: {  	s3 =	sand.u32 $0x4000, s31;
	s1 =	sadd.s32 s1, s30  }
0xbd: {  	s0 =	sor.u32 s3, s0;
	s1 =	sshll.u32 s1, $0x11  }
0xbe: {  	s0 =	sor.u32 s1, s0  }
0xbf: {  	s0 =	sadd.s32 $0x8F2B, s0  }
0xc0: {  	[sflag:s0] =	ssyncadd.remote.s32 $0x1  }
0xc1: {  	_ =	sfence.sel $0xFFFF  }
0xc2: {  	[dreg:$0x0] =	wrdreg $0xFFFFFFFF;
	(pc) =	sbr.abs _section_cstart, $3  }
0xc3: {  	[dreg:$0x1] =	wrdreg $0xFFFFFFFF  }
0xc4: {  	_ =	task.clear_ibuf [dreg:s8], $0x2FFFF;
	_ =	strace $0x9FFFFFFF  }
0xc5: {  	(tm) =	ssettm $0x7FFFFFFF  }
tec
execute0_lowered:
.L_overlay_start_1:
0x0: {  	(tag) =	ssettag $0x1  }
0x1: {  	s1 =	rddreg [dreg:$0x0]  }
0x2: {  	s7 =	rddreg [dreg:$0x1]  }
0x3: {  	s2 =	srdreg.scid;
	s8 =	rddreg [dreg:$0x2]  }
0x4: {  	s0 =	stileid.u32;
	s3 =	rddreg [dreg:$0x3];
	s4 =	simm.s32 $0x0  }
0x5: {  	s14 =	simm.s32 $0x80;
	s15 =	simm.s32 $0x5000;
	s16 =	simm.s32 $0x1  }
0x6: {  	s17 =	simm.s32 $0x0;
	s6 =	sand.u32 $0x1, s2;
	s10 =	smul.u32 $0x13C00, s0  }
0x7: {  	s29 =	sshll.u32 s0, $0x1;
	[smem:$0x7FF] =	sst s4;
	s12 =	smul.u32 $0x4F000, s0  }
0x8: {  	s31 =	sshll.u32 s0, $0x6;
	s2 =	sor.u32 s6, s29;
	s5 =	smul.u32 $0x13C000, s6  }
0x9: {  	s6 =	ssub.s32 $0x2, s6;
	s9 =	smul.u32 $0x500, s2;
	s2 =	rddreg [dreg:$0x4]  }
0xa: {  	_ =	strace $0x80000047;
	s30 =	sshrl.u32 s6, $0x1;
	s12 =	sshrl.u32 s12, $0x2  }
0xb: {  	s10 =	sadd.s32 s10, s5;
	s5 =	sadd.s32 $0xD000, s8;
	s13 =	ssub.s32 s6, s30  }
0xc: {  	s12 =	sadd.s32 s12, s3;
	s6 =	sor.u32 $0x1C02, s31;
	s10 =	sshrl.u32 s10, $0x3  }
0xd: {  	s11 =	sadd.s32 s9, s8;
	s7 =	sadd.s32 s7, s9;
	s10 =	sadd.s32 s10, s8  }
0xe: {  	s8 =	sadd.s32 $0x3000, s11;
	s11 =	sshrl.u32 s12, $0x3;
	s12 =	simm.s32 $0x2  }
0xf: {  	s9 =	sadd.s32 $0xF800, s10;
	s10 =	smax.u32 s13, $0x1;
	s13 =	simm.s32 $0x2800  }
.LBB2_1:
0x10: {  	[spmem:s11], [sflag:s6] =	dma.local [hbm:s5], $0x2780  }
0x11: {  	_ =	swait.ge [sflag:s12], $0x2780  }
0x12: {  	[sflag:s12] =	ssyncset.done $0x0  }
0x13: {  	[sflag:s12] =	ssyncadd.s32 $0xFFFFD880  }
0x14: {  	[tilespmem:s4], [sflag:$0x2] =	stream.linear.gather [hbm4b:s7+s4], $0x2780, $0x38;
	[tilespmem:$0x1CC00] =	vst v63  }
0x15: {  	_ =	swait.ge [sflag:s12], $0x2780  }
0x16: {  	[sflag:s12] =	ssyncset.done $0x0  }
0x17: {  	[sflag:s12] =	ssyncadd.s32 $0xFFFFD880  }
0x18: {  	[tilespmem:s13], [sflag:$0x2] =	stream.linear.gather [hbm4b:s8+s4], $0x2780, $0x38;
	[tilespmem:$0x1CC00] =	vst v63  }
0x19: {  	_ =	swait.ge [sflag:s12], $0x2780  }
0x1a: {  	[sflag:s12] =	ssyncset.done $0x0  }
0x1b: {  	[sflag:s12] =	ssyncadd.s32 $0xFFFFD880  }
0x1c: {  	s18 =	simm.s32 $0x0;
	[bflag:$0x0] =	sbarrier.arrive $0xFFFF  }
0x1d: {  	[tilespmem:s15], [sflag:$0x1] =	stream.indirect.gather [hbm4b:s1+s14], $0x80, s18, s14, $0xb8;
	[tilespmem:$0x1CC00] =	vst v63  }
0x1e: {  	_ =	swait.ge [sflag:s16], $0x4000  }
0x1f: {  	[sflag:s16] =	ssyncset.done $0x0  }
0x20: {  	s31 =	simm.s32 $0x2800;
	[sflag:s16] =	ssyncadd.s32 $0xFFFFC000  }
0x21: {  	[spmem:s3] =	stream.indirect.scatter.add.f32 [tilespmem:s15], [sflag:$0x2], $0x80, s31, s14, $0xb8;
	[tilespmem:$0x1CC00] =	vst v63  }
0x22: {  	_ =	swait.ge [sflag:s12], $0x4000  }
0x23: {  	s19 =	simm.s32 $0x400;
	s18 =	simm.s32 $0x200;
	[sflag:s12] =	ssyncset.done $0x0  }
.LBB2_2:
0x24: {  	s20 =	sshra.s32 s18, $0x2  }
0x25: {  	[sflag:s12] =	ssyncadd.s32 $0xFFFFC000;
	s18 =	smov.u32 s19;
	s21 =	sadd.s32 $0x200, s19  }
0x26: {  	[tilespmem:s15], [sflag:$0x1] =	stream.indirect.gather [hbm4b:s1+s14], $0x80, s20, s14, $0xb8;
	[tilespmem:$0x1CC00] =	vst v63  }
0x27: {  	p0 =	sne.s32 s19, $0x9C00;
	_ =	swait.ge [sflag:s16], $0x4000  }
.Ltmp0:
0x28: {  	[sflag:s16] =	ssyncset.done $0x0;
	(pc) =	sbr.rel @p0 .LBB2_2-.Ltmp0, $4  }
0x29: {  	s19 =	sadd.s32 $0x2800, s20;
	[sflag:s16] =	ssyncadd.s32 $0xFFFFC000  }
0x2a: {  	[spmem:s3] =	stream.indirect.scatter.add.f32 [tilespmem:s15], [sflag:$0x2], $0x80, s19, s14, $0xb8;
	[tilespmem:$0x1CC00] =	vst v63  }
0x2b: {  	_ =	swait.ge [sflag:s12], $0x4000  }
0x2c: {  	s19 =	smov.u32 s21;
	[sflag:s12] =	ssyncset.done $0x0  }
0x2d: {  	s18 =	sshra.s32 s18, $0x2;
	[sflag:s12] =	ssyncadd.s32 $0xFFFFC000  }
0x2e: {  	[tilespmem:s15], [sflag:$0x1] =	stream.indirect.gather [hbm4b:s1+s14], $0x80, s18, s14, $0xb8;
	[tilespmem:$0x1CC00] =	vst v63  }
0x2f: {  	_ =	swait.ge [sflag:s16], $0x4000  }
0x30: {  	[sflag:s16] =	ssyncset.done $0x0  }
0x31: {  	s18 =	sadd.s32 $0x2800, s18;
	[sflag:s16] =	ssyncadd.s32 $0xFFFFC000  }
0x32: {  	[spmem:s3] =	stream.indirect.scatter.add.f32 [tilespmem:s15], [sflag:$0x2], $0x80, s18, s14, $0xb8;
	[tilespmem:$0x1CC00] =	vst v63  }
0x33: {  	_ =	swait.ge [sflag:s12], $0x4000  }
0x34: {  	s17 =	sadd.s32 $0x1, s17;
	[sflag:s12] =	ssyncset.done $0x0  }
0x35: {  	p0 =	sne.s32 s17, s10;
	[sflag:s12] =	ssyncadd.s32 $0xFFFFC000  }
.Ltmp1:
0x36: {  	[bflag:$0x0] =	sbarrier.arrive $0xFFFF;
	(pc) =	sbr.rel @p0 .LBB2_1-.Ltmp1, $4  }
0x37: {  	[hbm:s9], [sflag:s6] =	dma.local [spmem:s11], $0x2780  }
0x38: {  	_ =	swait.ge [sflag:s12], $0x2780  }
0x39: {  	[sflag:s12] =	ssyncset.done $0x0  }
0x3a: {  	[sflag:s12] =	ssyncadd.s32 $0xFFFFD880  }
0x3b: {  	_ =	sfence.sel $0x180000  }
0x3c: {  	[bflag:$0x0] =	sbarrier.arrive $0xFFFF  }
0x3d: {  	p0 =	sne.s32 s0, $0x0;
	_ =	strace $0x90000047  }
0x3e: {  	s0 =	sadd.s32 @!p0 $0x100000, s2;
	[bflag:$0x2] =	sbarrier.arrive $0xFFFF  }
0x3f: {  	[sflag:s0] =	ssyncadd.tile.s32 @!p0 $0x1;
	_ =	shalt  }
.Lfunc_end2:
_tile_overlayer_lowered:
.L_overlay_start_2:
0x40: {  	(tag) =	ssettag $0x2  }
0x41: {  	s0 =	rddreg [dreg:$0x0];
	s2 =	stileid.u32  }
0x42: {  	s1 =	rddreg [dreg:$0x1];
	p0 =	sne.s32 s2, $0x0  }
0x43: {  	s3 =	rddreg [dreg:$0x2];
	[bflag:$0x3] =	sbarrier.arrive $0xFFFF;
	s2 =	simm.s32 @!p0 $0x1C02  }
0x44: {  	[timem:s3], [sflag:s2] =	dma.local @!p0 [hbm:s0], s1  }
0x45: {  	s0 =	simm.s32 @!p0 $0x2  }
0x46: {  	_ =	swait.ge @!p0 [sflag:s0], s1  }
0x47: {  	s1 =	ssub.s32 @!p0 $0x0, s1;
	[sflag:s0] =	ssyncset.done @!p0 $0x0  }
0x48: {  	[sflag:s0] =	ssyncadd.s32 @!p0 s1  }
0x49: {  	[bflag:$0x3] =	sbarrier.arrive $0xFFFF  }
0x4a: {  	_ =	shalt  }

// kernel: kernel.9.cloned.1.call-start
scs
__scs_entry_jumppad:
0x0: {  	(pc) =	sbr.rel $0x88, $3  }
0x1: {  	(tag) =	ssettag $0x0;
	lr =	simm.s32 $0x1  }
0x2: {  	[smem:$0x3F8F] =	sst lr;
	_ =	strace $0xD0000000  }
0x3: {  	_ = 	snop  }
0x4: {  	_ = 	snop  }
0x5: {  	_ = 	snop  }
0x6: {  	_ = 	snop  }
0x7: {  	_ = 	snop  }
__scs_overlays_trampoline_lowered:
0x8: {  	[smem:$0x3F9E] =	sst s0  }
0x9: {  	[smem:$0x3F9F] =	sst s1  }
0xa: {  	[smem:$0x3FA0] =	sst s2  }
0xb: {  	[smem:$0x3FA1] =	sst s3  }
0xc: {  	[smem:$0x3FA2] =	sst s4  }
0xd: {  	[smem:$0x3FA3] =	sst s5  }
0xe: {  	[smem:$0x3FA4] =	sst s6  }
0xf: {  	[smem:$0x3FA5] =	sst s7  }
0x10: {  	[smem:$0x3FA6] =	sst s8  }
0x11: {  	[smem:$0x3FA7] =	sst s9;
	s0 =	simm.s32 @!p0 $0x0  }
0x12: {  	s1 =	sld [smem:$0x3F8D];
	s0 =	simm.s32 @p0 $0x1  }
0x13: {  	[smem:$0x3FA8] =	sst s0;
	s0 =	simm.s32 @!p1 $0x0  }
0x14: {  	s2 =	sld [smem:$0x3F8C];
	s0 =	simm.s32 @p1 $0x1  }
0x15: {  	[smem:$0x3FA9] =	sst s0;
	s0 =	simm.s32 @!p2 $0x0  }
0x16: {  	s3 =	sld [smem:$0x3FDB];
	s0 =	simm.s32 @p2 $0x1  }
0x17: {  	s4 =	simm.s32 $0x1BF5;
	[smem:$0x3FAB] =	sst s0  }
0x18: {  	s0 =	sld [smem:$0x3F8E];
	_ =	swait.ge [sflag:s4], $0x0  }
0x19: {  	s7 =	sld [smem:$0x3F8F]  }
0x1a: {  	s8 =	sadd.s32 $0xFFFFE003, lr  }
0x1b: {  	s9 =	sadd.s32 $0xFFFFFEF7, lr;
	s5 =	simm.s32 $0xFFFFFFFF;
	p2 =	slt.u32 s8, $0xFFFFF086  }
0x1c: {  	p1 =	slt.u32 s9, $0xF7A;
	s5 =	simm.s32 @!p2 $0x0  }
0x1d: {  	s5 =	simm.s32 @p1 $0x1;
	p0 =	seq.s32 s7, s2  }
0x1e: {  	s7 =	smul.u32 @!p0 $0xF7A, s2;
	p2 =	seq.s32 @!p0 s5, $0x0  }
0x1f: {  	s9 =	smul.u32 $0xF7A, s1;
	s8 =	simm.s32 @!p0 $0x1BF5;
	p2 =	por !p2, p0  }
0x20: {  	[sflag:s8] =	ssyncset.s32 @!p0 $0xFFFFF086;
	s6 =	sadd.s32 @!p0 s3, s7;
	s7 =	simm.s32 @!p0 $0x108  }
0x21: {  	s3 =	sadd.s32 s3, s9;
	s6 =	sadd.s32 @!p0 $0x88, s6;
	s7 =	simm.s32 @p2 $0x1082  }
0x22: {  	[simem:s7], [sflag:s8] =	dma.local @!p0 [hbm:s6], $0xF7A  }
0x23: {  	s9 =	sor.u32 $0xD0000000, s2;
	s6 =	simm.s32 $0x108;
	_ =	swait.ge @!p0 [sflag:s8], $0x0  }
0x24: {  	s3 =	sadd.s32 $0x88, s3;
	s6 =	simm.s32 @!p1 $0x1082;
	[sflag:s4] =	ssyncset.s32 $0xFFFFF086  }
0x25: {  	[simem:s6], [sflag:s4] =	dma.local [hbm:s3], $0xF7A  }
0x26: {  	[smem:$0x3F8F] =	sst s1;
	(tag) =	ssettag s2;
	_ =	strace s9  }
0x27: {  	s1 =	sld [smem:$0x3F9F]  }
0x28: {  	s2 =	sld [smem:$0x3FA0]  }
0x29: {  	s4 =	sld [smem:$0x3FA2]  }
0x2a: {  	p0 =	seq.s32 s5, $0x0;
	s5 =	sld [smem:$0x3FA3]  }
0x2b: {  	s6 =	sld [smem:$0x3FA4]  }
0x2c: {  	s7 =	sld [smem:$0x3FA5]  }
0x2d: {  	s3 =	simm.s32 $0x108;
	s8 =	sld [smem:$0x3FA6]  }
0x2e: {  	s3 =	simm.s32 @!p0 $0x1082;
	s9 =	sld [smem:$0x3FA7]  }
0x2f: {  	lr =	sadd.s32 s0, s3;
	s0 =	sld [smem:$0x3F9E]  }
0x30: {  	s3 =	sld [smem:$0x3FA1]  }
0x31: {  	[smem:$0x3FAA] =	sst s10  }
0x32: {  	s10 =	sld [smem:$0x3FA8];
	_ =	sdelay $0x3  }
0x33: {  	p0 =	seq.s32 s10, $0x1;
	s10 =	sld [smem:$0x3FAA];
	_ =	sdelay $0x3  }
0x34: {  	[smem:$0x3FAA] =	sst s10  }
0x35: {  	s10 =	sld [smem:$0x3FA9];
	_ =	sdelay $0x3  }
0x36: {  	p1 =	seq.s32 s10, $0x1;
	s10 =	sld [smem:$0x3FAA];
	_ =	sdelay $0x3  }
0x37: {  	[smem:$0x3FAA] =	sst s10  }
0x38: {  	s10 =	sld [smem:$0x3FAB]  }
0x39: {  	_ = 	snop;
	(pc) =	sbr.ind lr, $3  }
0x3a: {  	_ = 	snop  }
0x3b: {  	_ = 	snop  }
0x3c: {  	p2 =	seq.s32 s10, $0x1;
	s10 =	sld [smem:$0x3FAA]  }
0x3d: {  	_ =	shalt  }
0x3e: {  	_ =	shalt  }
0x3f: {  	_ =	shalt  }
0x40: {  	_ =	shalt  }
0x41: {  	_ =	shalt  }
0x42: {  	_ =	shalt  }
0x43: {  	_ =	shalt  }
0x44: {  	_ =	shalt  }
0x45: {  	_ =	shalt  }
0x46: {  	_ =	shalt  }
0x47: {  	_ =	shalt  }
0x48: {  	_ =	shalt  }
0x49: {  	_ =	shalt  }
0x4a: {  	_ =	shalt  }
0x4b: {  	_ =	shalt  }
0x4c: {  	_ =	shalt  }
0x4d: {  	_ =	shalt  }
0x4e: {  	_ =	shalt  }
0x4f: {  	_ =	shalt  }
0x50: {  	_ =	shalt  }
0x51: {  	_ =	shalt  }
0x52: {  	_ =	shalt  }
0x53: {  	_ =	shalt  }
0x54: {  	_ =	shalt  }
0x55: {  	_ =	shalt  }
0x56: {  	_ =	shalt  }
0x57: {  	_ =	shalt  }
0x58: {  	_ =	shalt  }
0x59: {  	_ =	shalt  }
0x5a: {  	_ =	shalt  }
0x5b: {  	_ =	shalt  }
0x5c: {  	_ =	shalt  }
0x5d: {  	_ =	shalt  }
0x5e: {  	_ =	shalt  }
0x5f: {  	_ =	shalt  }
0x60: {  	_ =	shalt  }
0x61: {  	_ =	shalt  }
0x62: {  	_ =	shalt  }
0x63: {  	_ =	shalt  }
0x64: {  	_ =	shalt  }
0x65: {  	_ =	shalt  }
0x66: {  	_ =	shalt  }
0x67: {  	_ =	shalt  }
0x68: {  	_ =	shalt  }
0x69: {  	_ =	shalt  }
0x6a: {  	_ =	shalt  }
0x6b: {  	_ =	shalt  }
0x6c: {  	_ =	shalt  }
0x6d: {  	_ =	shalt  }
0x6e: {  	_ =	shalt  }
0x6f: {  	_ =	shalt  }
0x70: {  	_ =	shalt  }
0x71: {  	_ =	shalt  }
0x72: {  	_ =	shalt  }
0x73: {  	_ =	shalt  }
0x74: {  	_ =	shalt  }
0x75: {  	_ =	shalt  }
0x76: {  	_ =	shalt  }
0x77: {  	_ =	shalt  }
0x78: {  	_ =	shalt  }
0x79: {  	_ =	shalt  }
0x7a: {  	_ =	shalt  }
0x7b: {  	_ =	shalt  }
0x7c: {  	_ =	shalt  }
0x7d: {  	_ =	shalt  }
0x7e: {  	_ =	shalt  }
0x7f: {  	_ =	shalt  }
0x80: {  	_ =	shalt  }
0x81: {  	_ =	shalt  }
0x82: {  	_ =	shalt  }
0x83: {  	_ =	shalt  }
0x84: {  	_ =	shalt  }
0x85: {  	_ =	shalt  }
0x86: {  	_ =	shalt  }
0x87: {  	_ =	shalt  }
.Lfunc_end0:
.L_simem_size_0:
called_computation.1_lowered:
.L_overlay_start_0:
0x88: {  	s2 =	sld [smem:$0x3FD9]  }
0x89: {  	s3 =	sld [smem:$0x3FFE];
	_ =	sdelay $0x1  }
0x8a: {  	s1 =	srdreg.scid  }
0x8b: {  	s0 =	sand.u32 $0x1, s1  }
0x8c: {  	s17 =	sshll.u32 s0, $0xA;
	s2 =	sadd.s32 s3, s2  }
0x8d: {  	s2 =	sadd.s32 s2, s17  }
0x8e: {  	[smem:$0x3FB6] =	sst s2  }
0x8f: {  	_ = 	snop  }
0x90: {  	s2 =	sld [smem:$0x3FD0];
	(tm) =	ssettm $0x1  }
0x91: {  	s18 =	sld [smem:$0x3FFB];
	_ =	sdelay $0x3  }
0x92: {  	_ =	strace s18  }
0x93: {  	s3 =	sld [smem:$0x3FFC];
	_ =	sdelay $0x3  }
0x94: {  	_ =	strace s3  }
0x95: {  	s3 =	sld [smem:$0x3FFD];
	_ =	sdelay $0x3  }
0x96: {  	_ =	strace s3  }
0x97: {  	_ =	strace $0x8FFFFFFF  }
0x98: {  	s19 =	sld [smem:$0x3FDB];
	_ =	sdelay $0x1  }
0x99: {  	s4 =	simm.s32 $_scs_section_size  }
0x9a: {  	s5 =	simm.s32 $_size__tile_overlayer_lowered;
	s6 =	simm.s32 $_tile_overlayer_lowered  }
0x9b: {  	s22 =	simm.s32 $0x1BFF;
	s21 =	sshll.u32 s6, $0x1;
	s3 =	sadd.s32 s4, s19  }
0x9c: {  	s7 =	simm.s32 $0x0;
	s20 =	sshll.u32 s5, $0x1;
	s5 =	sadd.s32 s21, s3  }
0x9d: {  	[timem:s7], [sflag:s22] =	dma.local [hbm:s5], s20  }
0x9e: {  	_ =	swait.ge [sflag:s22], s20  }
0x9f: {  	s4 =	ssub.s32 $0x0, s20;
	[sflag:s22] =	ssyncset.done $0x0  }
0xa0: {  	[sflag:s22] =	ssyncadd.s32 s4;
	_ =	sdelay $0x1  }
0xa1: {  	s23 =	simm.s32 $0x1B8B  }
0xa2: {  	_ =	swait.ge [sflag:s23], $0x1  }
0xa3: {  	[sflag:s23] =	ssyncset.done $0x0  }
0xa4: {  	s25 =	simm.s32 $0x1B8E;
	s24 =	sld [smem:$0x3FFE];
	[sflag:s23] =	ssyncadd.s32 $0xFFFFFFFF  }
0xa5: {  	s26 =	simm.s32 $execute0_lowered;
	[smem:$0x3FD2] =	sst s25  }
0xa6: {  	s5 =	sshll.u32 s26, $0x1;
	_ =	strace $0x80000049;
	[dreg:$0x1] =	wrdreg $0xFFFFFFFF  }
0xa7: {  	s28 =	simm.s32 $_size_execute0_lowered;
	s3 =	sadd.s32 s3, s5;
	[dreg:$0x0] =	wrdreg $0x0  }
0xa8: {  	s5 =	sshll.u32 s28, $0x1;
	[dreg:$0x2] =	wrdreg s3  }
0xa9: {  	[dreg:$0x3] =	wrdreg s5  }
0xaa: {  	[dreg:$0x4] =	wrdreg $0xC0  }
0xab: {  	_ =	task [dreg:s7], $0x5FFFF  }
0xac: {  	[dreg:$0x1] =	wrdreg $0xFFFFFFFF  }
0xad: {  	[dreg:$0x0] =	wrdreg $0x60  }
0xae: {  	[dreg:$0x2] =	wrdreg s24  }
0xaf: {  	[dreg:$0x3] =	wrdreg s2  }
0xb0: {  	[dreg:$0x4] =	wrdreg $0x90000  }
0xb1: {  	[dreg:$0x5] =	wrdreg $0x9  }
0xb2: {  	_ =	task.clear_ibuf [dreg:s7], $0x6FFFF;
	_ =	strace $0x90000049  }
0xb3: {  	s29 =	simm.s32 $0x9;
	_ =	strace $0x8000004B  }
0xb4: {  	_ =	swait.ge [sflag:s29], $0x1  }
0xb5: {  	[sflag:s29] =	ssyncadd.s32 $0xFFFFFFFF  }
0xb6: {  	_ =	strace $0x9000004B  }
0xb7: {  	_ =	sfence  }
0xb8: {  	s30 =	sld [smem:$0x0];
	_ =	sdelay $0x2  }
0xb9: {  	s31 =	sshll.u32 s1, $0xD;
	s1 =	sshrl.u32 s1, $0x2  }
0xba: {  	s3 =	sand.u32 $0x4000, s31;
	s1 =	sadd.s32 s1, s30  }
0xbb: {  	s0 =	sor.u32 s3, s0;
	s1 =	sshll.u32 s1, $0x11  }
0xbc: {  	s0 =	sor.u32 s1, s0  }
0xbd: {  	s0 =	sadd.s32 $0x8F2B, s0  }
0xbe: {  	[sflag:s0] =	ssyncadd.remote.s32 $0x1  }
0xbf: {  	_ =	sfence.sel $0xFFFF  }
0xc0: {  	[dreg:$0x0] =	wrdreg $0xFFFFFFFF;
	(pc) =	sbr.abs _section_cstart, $3  }
0xc1: {  	[dreg:$0x1] =	wrdreg $0xFFFFFFFF  }
0xc2: {  	_ =	task.clear_ibuf [dreg:s7], $0x2FFFF;
	_ =	strace $0x9FFFFFFF  }
0xc3: {  	(tm) =	ssettm $0x7FFFFFFF  }
tec
execute0_lowered:
.L_overlay_start_1:
0x0: {  	(tag) =	ssettag $0x1  }
0x1: {  	s1 =	srdreg.scid;
	s6 =	rddreg [dreg:$0x0]  }
0x2: {  	s0 =	stileid.u32;
	s8 =	rddreg [dreg:$0x1]  }
0x3: {  	s2 =	rddreg [dreg:$0x2];
	s3 =	simm.s32 $0x0;
	s14 =	simm.s32 $0x80  }
0x4: {  	s15 =	simm.s32 $0x5000;
	s16 =	simm.s32 $0x1;
	s17 =	simm.s32 $0x0  }
0x5: {  	s7 =	sand.u32 $0x1, s1;
	s29 =	sshll.u32 s0, $0x1;
	s10 =	smul.u32 $0x13C00, s0  }
0x6: {  	[smem:$0x7FF] =	sst s3;
	s4 =	sadd.s32 $0xF800, s6;
	s12 =	smul.u32 $0x4F000, s0  }
0x7: {  	s31 =	sshll.u32 s0, $0x6;
	s1 =	sor.u32 s7, s29;
	s5 =	smul.u32 $0x13C000, s7  }
0x8: {  	s7 =	ssub.s32 $0x2, s7;
	s9 =	smul.u32 $0x500, s1;
	s1 =	rddreg [dreg:$0x3]  }
0x9: {  	_ =	strace $0x8000004A;
	s30 =	sshrl.u32 s7, $0x1;
	s12 =	sshrl.u32 s12, $0x2  }
0xa: {  	s10 =	sadd.s32 s10, s5;
	s5 =	sadd.s32 $0xD000, s6;
	s13 =	ssub.s32 s7, s30  }
0xb: {  	s12 =	sadd.s32 s12, s2;
	s11 =	sadd.s32 s9, s6;
	s10 =	sshrl.u32 s10, $0x3  }
0xc: {  	s7 =	sadd.s32 s8, s9;
	s10 =	sadd.s32 s10, s6;
	s6 =	sor.u32 $0x1C02, s31  }
0xd: {  	s8 =	sadd.s32 $0x3000, s11;
	s11 =	sshrl.u32 s12, $0x3;
	s12 =	simm.s32 $0x2  }
0xe: {  	s9 =	sadd.s32 $0x36A00, s10;
	s10 =	smax.u32 s13, $0x1;
	s13 =	simm.s32 $0x2800  }
.LBB2_1:
0xf: {  	[spmem:s11], [sflag:s6] =	dma.local [hbm:s5], $0x2780  }
0x10: {  	_ =	swait.ge [sflag:s12], $0x2780  }
0x11: {  	[sflag:s12] =	ssyncset.done $0x0  }
0x12: {  	[sflag:s12] =	ssyncadd.s32 $0xFFFFD880  }
0x13: {  	[tilespmem:s3], [sflag:$0x2] =	stream.linear.gather [hbm4b:s7+s3], $0x2780, $0x38;
	[tilespmem:$0x1CC00] =	vst v63  }
0x14: {  	_ =	swait.ge [sflag:s12], $0x2780  }
0x15: {  	[sflag:s12] =	ssyncset.done $0x0  }
0x16: {  	[sflag:s12] =	ssyncadd.s32 $0xFFFFD880  }
0x17: {  	[tilespmem:s13], [sflag:$0x2] =	stream.linear.gather [hbm4b:s8+s3], $0x2780, $0x38;
	[tilespmem:$0x1CC00] =	vst v63  }
0x18: {  	_ =	swait.ge [sflag:s12], $0x2780  }
0x19: {  	[sflag:s12] =	ssyncset.done $0x0  }
0x1a: {  	[sflag:s12] =	ssyncadd.s32 $0xFFFFD880  }
0x1b: {  	s18 =	simm.s32 $0x0;
	[bflag:$0x0] =	sbarrier.arrive $0xFFFF  }
0x1c: {  	[tilespmem:s15], [sflag:$0x1] =	stream.indirect.gather [hbm4b:s4+s14], $0x80, s18, s14, $0xb8;
	[tilespmem:$0x1CC00] =	vst v63  }
0x1d: {  	_ =	swait.ge [sflag:s16], $0x4000  }
0x1e: {  	[sflag:s16] =	ssyncset.done $0x0  }
0x1f: {  	s31 =	simm.s32 $0x2800;
	[sflag:s16] =	ssyncadd.s32 $0xFFFFC000  }
0x20: {  	[spmem:s2] =	stream.indirect.scatter.add.f32 [tilespmem:s15], [sflag:$0x2], $0x80, s31, s14, $0xb8;
	[tilespmem:$0x1CC00] =	vst v63  }
0x21: {  	_ =	swait.ge [sflag:s12], $0x4000  }
0x22: {  	s19 =	simm.s32 $0x400;
	s18 =	simm.s32 $0x200;
	[sflag:s12] =	ssyncset.done $0x0  }
.LBB2_2:
0x23: {  	s20 =	sshra.s32 s18, $0x2  }
0x24: {  	[sflag:s12] =	ssyncadd.s32 $0xFFFFC000;
	s18 =	smov.u32 s19;
	s21 =	sadd.s32 $0x200, s19  }
0x25: {  	[tilespmem:s15], [sflag:$0x1] =	stream.indirect.gather [hbm4b:s4+s14], $0x80, s20, s14, $0xb8;
	[tilespmem:$0x1CC00] =	vst v63  }
0x26: {  	p0 =	sne.s32 s19, $0x9C00;
	_ =	swait.ge [sflag:s16], $0x4000  }
.Ltmp0:
0x27: {  	[sflag:s16] =	ssyncset.done $0x0;
	(pc) =	sbr.rel @p0 .LBB2_2-.Ltmp0, $4  }
0x28: {  	s19 =	sadd.s32 $0x2800, s20;
	[sflag:s16] =	ssyncadd.s32 $0xFFFFC000  }
0x29: {  	[spmem:s2] =	stream.indirect.scatter.add.f32 [tilespmem:s15], [sflag:$0x2], $0x80, s19, s14, $0xb8;
	[tilespmem:$0x1CC00] =	vst v63  }
0x2a: {  	_ =	swait.ge [sflag:s12], $0x4000  }
0x2b: {  	s19 =	smov.u32 s21;
	[sflag:s12] =	ssyncset.done $0x0  }
0x2c: {  	s18 =	sshra.s32 s18, $0x2;
	[sflag:s12] =	ssyncadd.s32 $0xFFFFC000  }
0x2d: {  	[tilespmem:s15], [sflag:$0x1] =	stream.indirect.gather [hbm4b:s4+s14], $0x80, s18, s14, $0xb8;
	[tilespmem:$0x1CC00] =	vst v63  }
0x2e: {  	_ =	swait.ge [sflag:s16], $0x4000  }
0x2f: {  	[sflag:s16] =	ssyncset.done $0x0  }
0x30: {  	s18 =	sadd.s32 $0x2800, s18;
	[sflag:s16] =	ssyncadd.s32 $0xFFFFC000  }
0x31: {  	[spmem:s2] =	stream.indirect.scatter.add.f32 [tilespmem:s15], [sflag:$0x2], $0x80, s18, s14, $0xb8;
	[tilespmem:$0x1CC00] =	vst v63  }
0x32: {  	_ =	swait.ge [sflag:s12], $0x4000  }
0x33: {  	s17 =	sadd.s32 $0x1, s17;
	[sflag:s12] =	ssyncset.done $0x0  }
0x34: {  	p0 =	sne.s32 s17, s10;
	[sflag:s12] =	ssyncadd.s32 $0xFFFFC000  }
.Ltmp1:
0x35: {  	[bflag:$0x0] =	sbarrier.arrive $0xFFFF;
	(pc) =	sbr.rel @p0 .LBB2_1-.Ltmp1, $4  }
0x36: {  	[hbm:s9], [sflag:s6] =	dma.local [spmem:s11], $0x2780  }
0x37: {  	_ =	swait.ge [sflag:s12], $0x2780  }
0x38: {  	[sflag:s12] =	ssyncset.done $0x0  }
0x39: {  	[sflag:s12] =	ssyncadd.s32 $0xFFFFD880  }
0x3a: {  	_ =	sfence.sel $0x180000  }
0x3b: {  	[bflag:$0x0] =	sbarrier.arrive $0xFFFF  }
0x3c: {  	p0 =	sne.s32 s0, $0x0;
	_ =	strace $0x9000004A  }
0x3d: {  	s0 =	sadd.s32 @!p0 $0x100000, s1;
	[bflag:$0x2] =	sbarrier.arrive $0xFFFF  }
0x3e: {  	[sflag:s0] =	ssyncadd.tile.s32 @!p0 $0x1;
	_ =	shalt  }
.Lfunc_end2:
_tile_overlayer_lowered:
.L_overlay_start_2:
0x3f: {  	(tag) =	ssettag $0x2  }
0x40: {  	s0 =	rddreg [dreg:$0x0];
	s2 =	stileid.u32  }
0x41: {  	s1 =	rddreg [dreg:$0x1];
	p0 =	sne.s32 s2, $0x0  }
0x42: {  	s3 =	rddreg [dreg:$0x2];
	[bflag:$0x3] =	sbarrier.arrive $0xFFFF;
	s2 =	simm.s32 @!p0 $0x1C02  }
0x43: {  	[timem:s3], [sflag:s2] =	dma.local @!p0 [hbm:s0], s1  }
0x44: {  	s0 =	simm.s32 @!p0 $0x2  }
0x45: {  	_ =	swait.ge @!p0 [sflag:s0], s1  }
0x46: {  	s1 =	ssub.s32 @!p0 $0x0, s1;
	[sflag:s0] =	ssyncset.done @!p0 $0x0  }
0x47: {  	[sflag:s0] =	ssyncadd.s32 @!p0 s1  }
0x48: {  	[bflag:$0x3] =	sbarrier.arrive $0xFFFF  }
0x49: {  	_ =	shalt  }

</sc_bundles>
